<compile_context>
chip_gen: v7x
topology: tpu7x:2x2x1
jax: 0.10.2.dev20260603
libtpu: 0.0.44.dev20260713+nightly
codegen_flags: <defaults>
</compile_context>

<pallas_src>
import jax
import jax.numpy as jnp
from jax import lax
from jax.experimental import pallas as pl
from jax.experimental.pallas import tpu as pltpu
from jax.experimental.pallas import tpu_sc as plsc

N = 10000
E = 320000
D = 128
DH = D // 2
NC = 2
NS = 16
EPT = E // NS
CHUNK = 100
NCH = EPT // CHUNK
NCHP = NCH + 2
NP = 10240
RPT = NP // NS
BLK = 2000

_mesh = plsc.VectorSubcoreMesh(
    core_axis_name="c", subcore_axis_name="s", num_cores=NC, num_subcores=NS)
_sc_params = pltpu.CompilerParams(use_tc_tiling_on_sc=False)



def _deg_body(dst_hbm, zeros16_hbm, ones_hbm, out_hbm, dst_v, ones_v, acc_sh):
    c = lax.axis_index("c")
    s = lax.axis_index("s")
    pltpu.sync_copy(dst_hbm.at[s], dst_v)
    pltpu.sync_copy(ones_hbm, ones_v)
    pltpu.sync_copy(zeros16_hbm.at[pl.ds(s * RPT, RPT)],
                    acc_sh.at[pl.ds(s * RPT, RPT)])
    plsc.subcore_barrier()

    def body(j, carry):
        pltpu.sync_copy(ones_v, acc_sh.at[dst_v.at[j]], add=True)
        return carry

    lax.fori_loop(0, NCH, body, 0)
    plsc.subcore_barrier()
    pltpu.sync_copy(acc_sh.at[pl.ds(s * RPT, RPT)],
                    out_hbm.at[pl.ds(c * NP + s * RPT, RPT)])


_deg_call = pl.kernel(
    _deg_body,
    out_type=jax.ShapeDtypeStruct((NC * NP, 16), jnp.float32),
    mesh=_mesh,
    scratch_types=[
        pltpu.VMEM((NCHP, CHUNK), jnp.int32),
        pltpu.VMEM((CHUNK, 16), jnp.float32),
        pltpu.VMEM_SHARED((NP, 16), jnp.float32),
    ],
    compiler_params=_sc_params,
)


def _edge_body(src_hbm, dst_hbm, g_hbm, zeros_hbm, out_hbm,
               src_v, dst_v, buf0, buf1, acc_sh, sem0, sem1):
    c = lax.axis_index("c")
    s = lax.axis_index("s")
    pltpu.sync_copy(src_hbm.at[c * NS + s], src_v)
    pltpu.sync_copy(dst_hbm.at[s], dst_v)
    pltpu.sync_copy(zeros_hbm.at[pl.ds(s * RPT, RPT)],
                    acc_sh.at[pl.ds(s * RPT, RPT)])
    plsc.subcore_barrier()

    pltpu.async_copy(g_hbm.at[src_v.at[0]], buf0, sem0)
    pltpu.async_copy(g_hbm.at[src_v.at[1]], buf1, sem1)

    def body(j2, carry):
        j = 2 * j2
        pltpu.make_async_copy(g_hbm.at[src_v.at[j]], buf0, sem0).wait()
        pltpu.sync_copy(buf0, acc_sh.at[dst_v.at[j]], add=True)
        pltpu.async_copy(g_hbm.at[src_v.at[j + 2]], buf0, sem0)
        pltpu.make_async_copy(g_hbm.at[src_v.at[j + 1]], buf1, sem1).wait()
        pltpu.sync_copy(buf1, acc_sh.at[dst_v.at[j + 1]], add=True)
        pltpu.async_copy(g_hbm.at[src_v.at[j + 3]], buf1, sem1)
        return carry

    lax.fori_loop(0, NCH // 2, body, 0)
    pltpu.make_async_copy(g_hbm.at[src_v.at[0]], buf0, sem0).wait()
    pltpu.make_async_copy(g_hbm.at[src_v.at[1]], buf1, sem1).wait()
    plsc.subcore_barrier()
    pltpu.sync_copy(acc_sh.at[pl.ds(s * RPT, RPT)],
                    out_hbm.at[pl.ds(c * NP + s * RPT, RPT)])


_edge_call = pl.kernel(
    _edge_body,
    out_type=jax.ShapeDtypeStruct((NC * NP, DH), jnp.float32),
    mesh=_mesh,
    scratch_types=[
        pltpu.VMEM((NCHP, CHUNK), jnp.int32),
        pltpu.VMEM((NCHP, CHUNK), jnp.int32),
        pltpu.VMEM((CHUNK, DH), jnp.float32),
        pltpu.VMEM((CHUNK, DH), jnp.float32),
        pltpu.VMEM_SHARED((NP, DH), jnp.float32),
        pltpu.SemaphoreType.DMA,
        pltpu.SemaphoreType.DMA,
    ],
    compiler_params=_sc_params,
)



def _dinv(d_ref):
    return lax.rsqrt(d_ref[...][:, 0:1] + 1.0)


def _split_store(g_ref, res):
    g_ref[0, :, :] = res[:, :DH]
    g_ref[1, :, :] = res[:, DH:]


def _prep_tc(x_ref, w_ref, d_ref, g_ref):
    dinv = _dinv(d_ref)
    _split_store(g_ref, dinv * jnp.dot(x_ref[...], w_ref[...],
                                       preferred_element_type=jnp.float32))


def _mid_tc(aL_ref, aR_ref, g1_ref, d_ref, b_ref, w_ref, g2_ref):
    dinv = _dinv(d_ref)
    acc = jnp.concatenate([aL_ref[...], aR_ref[...]], axis=1)
    g1 = jnp.concatenate([g1_ref[0, :, :], g1_ref[1, :, :]], axis=1)
    z = jnp.maximum(dinv * (acc + g1) + b_ref[...], 0.0)
    _split_store(g2_ref, dinv * jnp.dot(z, w_ref[...],
                                        preferred_element_type=jnp.float32))


def _out_tc(aL_ref, aR_ref, g2_ref, d_ref, b_ref, out_ref):
    dinv = _dinv(d_ref)
    acc = jnp.concatenate([aL_ref[...], aR_ref[...]], axis=1)
    g2 = jnp.concatenate([g2_ref[0, :, :], g2_ref[1, :, :]], axis=1)
    out_ref[...] = jnp.maximum(dinv * (acc + g2) + b_ref[...], 0.0)


_row_spec = pl.BlockSpec((BLK, D), lambda i: (i, 0))
_half_spec = pl.BlockSpec((BLK, DH), lambda i: (i, 0))
_pair_spec = pl.BlockSpec((2, BLK, DH), lambda i: (0, i, 0))
_deg_spec = pl.BlockSpec((BLK, 16), lambda i: (i, 0))
_mat_spec = pl.BlockSpec((D, D), lambda i: (0, 0))
_bias_spec = pl.BlockSpec((1, D), lambda i: (0, 0))
_grid = (N // BLK,)
_pair_shape = jax.ShapeDtypeStruct((2, N, DH), jnp.float32)

_prep_call = pl.pallas_call(
    _prep_tc, grid=_grid,
    in_specs=[_row_spec, _mat_spec, _deg_spec],
    out_specs=_pair_spec,
    out_shape=_pair_shape)

_mid_call = pl.pallas_call(
    _mid_tc, grid=_grid,
    in_specs=[_half_spec, _half_spec, _pair_spec, _deg_spec,
              _bias_spec, _mat_spec],
    out_specs=_pair_spec,
    out_shape=_pair_shape)

_out_call = pl.pallas_call(
    _out_tc, grid=_grid,
    in_specs=[_half_spec, _half_spec, _pair_spec, _deg_spec, _bias_spec],
    out_specs=_row_spec,
    out_shape=jax.ShapeDtypeStruct((N, D), jnp.float32))



def kernel(x, edge_index, W1, b1, W2, b2):
    ei = edge_index.astype(jnp.int32)
    src = ei[0].reshape(NS, NCH, CHUNK)
    dst = ei[1].reshape(NS, NCH, CHUNK)
    pad = jnp.zeros((NS, NCHP - NCH, CHUNK), jnp.int32)
    src_p = jnp.concatenate([src, pad], axis=1)
    dst_p = jnp.concatenate([dst, pad], axis=1)
    src_all = jnp.concatenate([src_p, src_p + N], axis=0)
    zeros_dh = jnp.zeros((NP, DH), jnp.float32)
    zeros16 = jnp.zeros((NP, 16), jnp.float32)
    ones16 = jnp.ones((CHUNK, 16), jnp.float32)
    b1r = b1.reshape(1, D)
    b2r = b2.reshape(1, D)

    degp = _deg_call(dst_p, zeros16, ones16)
    d0 = degp[:N]

    g1 = _prep_call(x, W1, d0)
    acc1 = _edge_call(src_all, dst_p, g1.reshape(2 * N, DH), zeros_dh)
    g2 = _mid_call(acc1[:N], acc1[NP:NP + N], g1, d0, b1r, W2)
    acc2 = _edge_call(src_all, dst_p, g2.reshape(2 * N, DH), zeros_dh)
    return _out_call(acc2[:N], acc2[NP:NP + N], g2, d0, b2r)

# --- scband reference (transcript-rebuilt; emitter-appended) ---
"""Pipeline reference for scband-gcnbackbone-69595650065050 (READ-ONLY COPY).

The authoritative reference and input builder live on the scoring server;
editing this copy changes nothing except your own understanding.
"""

import jax, jax.numpy as jnp
import numpy as np

N_NODES = 10000
N_EDGES = 320000
D_IN = 128
D_HID = 128


def setup_inputs(seed: int = 0) -> dict:
    key = jax.random.key(seed)
    k1, k2, k3, k4, k5 = jax.random.split(key, 5)
    x = jax.random.normal(k1, (N_NODES, D_IN), dtype=jnp.float32)
    edge_index = jax.random.randint(k2, (2, N_EDGES), 0, N_NODES, dtype=jnp.int64)
    # GCNConv weights (glorot-style scale) and biases
    W1 = jax.random.normal(k3, (D_IN, D_HID), dtype=jnp.float32) * (1.0 / np.sqrt(D_IN))
    b1 = jnp.zeros((D_HID,), dtype=jnp.float32)
    W2 = jax.random.normal(k4, (D_HID, D_HID), dtype=jnp.float32) * (1.0 / np.sqrt(D_HID))
    b2 = jnp.zeros((D_HID,), dtype=jnp.float32)
    return {"x": x, "edge_index": edge_index, "W1": W1, "b1": b1, "W2": W2, "b2": b2}


def _gcn_conv(x, edge_index, W, b, num_nodes):
    # PyG GCNConv: add self-loops, symmetric normalization D^{-1/2} (A+I) D^{-1/2} x W + b
    src = edge_index[0]
    dst = edge_index[1]
    loop = jnp.arange(num_nodes, dtype=src.dtype)
    src = jnp.concatenate([src, loop], axis=0)
    dst = jnp.concatenate([dst, loop], axis=0)
    ones = jnp.ones(src.shape[0], dtype=x.dtype)
    deg = jnp.zeros((num_nodes,), dtype=x.dtype).at[dst].add(ones)
    deg_inv_sqrt = jnp.where(deg > 0, deg ** -0.5, 0.0)
    norm = deg_inv_sqrt[src] * deg_inv_sqrt[dst]
    h = x @ W
    msg = h[src] * norm[:, None]
    out = jnp.zeros((num_nodes, h.shape[1]), dtype=x.dtype).at[dst].add(msg)
    return out + b


def reference(x, edge_index, W1, b1, W2, b2):
    num_nodes = x.shape[0]
    h = _gcn_conv(x, edge_index, W1, b1, num_nodes)
    h = jax.nn.relu(h)
    h = _gcn_conv(h, edge_index, W2, b2, num_nodes)
    h = jax.nn.relu(h)
    return h

if __name__ == "__main__":
    import jax
    _d = setup_inputs()
    print(jax.jit(kernel)(*tuple(_d.values())))

</pallas_src>

<mosaic_0001>
#map = affine_map<(d0, d1) -> (0, 0, 0)>
#map1 = affine_map<(d0, d1) -> (0, 0)>
module attributes {stable_mosaic.version = 14 : i64} {
  func.func @_edge_body(%arg0: i32, %arg1: i32, %arg2: memref<32x202x100xi32, #tpu.memory_space<hbm>>, %arg3: memref<16x202x100xi32, #tpu.memory_space<hbm>>, %arg4: memref<20000x64xf32, #tpu.memory_space<hbm>>, %arg5: memref<10240x64xf32, #tpu.memory_space<hbm>>, %arg6: memref<20480x64xf32, #tpu.memory_space<hbm>>, %arg7: memref<202x100xi32, #tpu.memory_space<vmem>>, %arg8: memref<202x100xi32, #tpu.memory_space<vmem>>, %arg9: memref<100x64xf32, #tpu.memory_space<vmem>>, %arg10: memref<100x64xf32, #tpu.memory_space<vmem>>, %arg11: memref<10240x64xf32, #tpu.memory_space<vmem_shared>>, %arg12: memref<!tpu.dma_semaphore, #tpu.memory_space<semaphore_mem>>, %arg13: memref<!tpu.dma_semaphore, #tpu.memory_space<semaphore_mem>>) attributes {dimension_semantics = [#tpu.dimension_semantics<core_parallel>, #tpu.dimension_semantics<subcore_parallel>], iteration_bounds = array<i64: 2, 16>, scalar_prefetch = 0 : i64, scratch_operands = 7 : i64, tpu.core_type = #tpu.core_type<sc_vector_subcore>, window_params = [{transform_indices = #map}, {transform_indices = #map}, {transform_indices = #map1}, {transform_indices = #map1}, {transform_indices = #map1}]} {
    %mul3A = arith.constant 16 : i32
    %mul3A_0 = arith.muli %arg0, %mul3A : i32
    %add3A = arith.addi %mul3A_0, %arg1 : i32
    "tpu.region"() ({
      %run_scoped3A = tpu.sem_alloc : memref<!tpu.dma_semaphore, #tpu.memory_space<semaphore_mem>>
      %dma_start3A_44 = arith.constant 0 : i32
      %dma_start3A_45 = arith.constant 0 : i32
      %dma_start3A_46 = tpu.memref_slice %arg2[%add3A, %dma_start3A_44, %dma_start3A_45] : memref<32x202x100xi32, #tpu.memory_space<hbm>> -> memref<1x202x100xi32, #tpu.memory_space<hbm>>
      %dma_start3A_47 = tpu.memref_squeeze %dma_start3A_46 : memref<1x202x100xi32, #tpu.memory_space<hbm>> -> memref<202x100xi32, #tpu.memory_space<hbm>>
      %dma_start3A_48 = arith.constant 0 : i32
      %dma_start3A_49 = arith.constant 0 : i32
      %dma_start3A_50 = tpu.memref_slice %arg2[%add3A, %dma_start3A_48, %dma_start3A_49] : memref<32x202x100xi32, #tpu.memory_space<hbm>> -> memref<1x202x100xi32, #tpu.memory_space<hbm>>
      %dma_start3A_51 = tpu.memref_squeeze %dma_start3A_50 : memref<1x202x100xi32, #tpu.memory_space<hbm>> -> memref<202x100xi32, #tpu.memory_space<hbm>>
      tpu.enqueue_dma source(%dma_start3A_51 : memref<202x100xi32, #tpu.memory_space<hbm>>) target(%arg7 : memref<202x100xi32, #tpu.memory_space<vmem>>) target_semaphore(%run_scoped3A : memref<!tpu.dma_semaphore, #tpu.memory_space<semaphore_mem>>)
      %dma_wait3A_52 = arith.constant 0 : i32
      %dma_wait3A_53 = arith.constant 0 : i32
      %dma_wait3A_54 = tpu.memref_slice %arg2[%add3A, %dma_wait3A_52, %dma_wait3A_53] : memref<32x202x100xi32, #tpu.memory_space<hbm>> -> memref<1x202x100xi32, #tpu.memory_space<hbm>>
      %dma_wait3A_55 = tpu.memref_squeeze %dma_wait3A_54 : memref<1x202x100xi32, #tpu.memory_space<hbm>> -> memref<202x100xi32, #tpu.memory_space<hbm>>
      %dma_wait3A_56 = arith.constant 0 : i32
      %dma_wait3A_57 = arith.constant 0 : i32
      %dma_wait3A_58 = tpu.memref_slice %arg2[%add3A, %dma_wait3A_56, %dma_wait3A_57] : memref<32x202x100xi32, #tpu.memory_space<hbm>> -> memref<1x202x100xi32, #tpu.memory_space<hbm>>
      %dma_wait3A_59 = tpu.memref_squeeze %dma_wait3A_58 : memref<1x202x100xi32, #tpu.memory_space<hbm>> -> memref<202x100xi32, #tpu.memory_space<hbm>>
      tpu.wait_dma2 semaphore(%run_scoped3A : memref<!tpu.dma_semaphore, #tpu.memory_space<semaphore_mem>>) src(%dma_wait3A_59 : memref<202x100xi32, #tpu.memory_space<hbm>>) dst(%arg7 : memref<202x100xi32, #tpu.memory_space<vmem>>)
      tpu.yield
    }) : () -> ()
    "tpu.region"() ({
      %run_scoped3A = tpu.sem_alloc : memref<!tpu.dma_semaphore, #tpu.memory_space<semaphore_mem>>
      %dma_start3A_44 = arith.constant 0 : i32
      %dma_start3A_45 = arith.constant 0 : i32
      %dma_start3A_46 = tpu.memref_slice %arg3[%arg1, %dma_start3A_44, %dma_start3A_45] : memref<16x202x100xi32, #tpu.memory_space<hbm>> -> memref<1x202x100xi32, #tpu.memory_space<hbm>>
      %dma_start3A_47 = tpu.memref_squeeze %dma_start3A_46 : memref<1x202x100xi32, #tpu.memory_space<hbm>> -> memref<202x100xi32, #tpu.memory_space<hbm>>
      %dma_start3A_48 = arith.constant 0 : i32
      %dma_start3A_49 = arith.constant 0 : i32
      %dma_start3A_50 = tpu.memref_slice %arg3[%arg1, %dma_start3A_48, %dma_start3A_49] : memref<16x202x100xi32, #tpu.memory_space<hbm>> -> memref<1x202x100xi32, #tpu.memory_space<hbm>>
      %dma_start3A_51 = tpu.memref_squeeze %dma_start3A_50 : memref<1x202x100xi32, #tpu.memory_space<hbm>> -> memref<202x100xi32, #tpu.memory_space<hbm>>
      tpu.enqueue_dma source(%dma_start3A_51 : memref<202x100xi32, #tpu.memory_space<hbm>>) target(%arg8 : memref<202x100xi32, #tpu.memory_space<vmem>>) target_semaphore(%run_scoped3A : memref<!tpu.dma_semaphore, #tpu.memory_space<semaphore_mem>>)
      %dma_wait3A_52 = arith.constant 0 : i32
      %dma_wait3A_53 = arith.constant 0 : i32
      %dma_wait3A_54 = tpu.memref_slice %arg3[%arg1, %dma_wait3A_52, %dma_wait3A_53] : memref<16x202x100xi32, #tpu.memory_space<hbm>> -> memref<1x202x100xi32, #tpu.memory_space<hbm>>
      %dma_wait3A_55 = tpu.memref_squeeze %dma_wait3A_54 : memref<1x202x100xi32, #tpu.memory_space<hbm>> -> memref<202x100xi32, #tpu.memory_space<hbm>>
      %dma_wait3A_56 = arith.constant 0 : i32
      %dma_wait3A_57 = arith.constant 0 : i32
      %dma_wait3A_58 = tpu.memref_slice %arg3[%arg1, %dma_wait3A_56, %dma_wait3A_57] : memref<16x202x100xi32, #tpu.memory_space<hbm>> -> memref<1x202x100xi32, #tpu.memory_space<hbm>>
      %dma_wait3A_59 = tpu.memref_squeeze %dma_wait3A_58 : memref<1x202x100xi32, #tpu.memory_space<hbm>> -> memref<202x100xi32, #tpu.memory_space<hbm>>
      tpu.wait_dma2 semaphore(%run_scoped3A : memref<!tpu.dma_semaphore, #tpu.memory_space<semaphore_mem>>) src(%dma_wait3A_59 : memref<202x100xi32, #tpu.memory_space<hbm>>) dst(%arg8 : memref<202x100xi32, #tpu.memory_space<vmem>>)
      tpu.yield
    }) : () -> ()
    %mul3A_1 = arith.constant 640 : i32
    %mul3A_2 = arith.muli %arg1, %mul3A_1 : i32
    %mul3A_3 = arith.constant 640 : i32
    %mul3A_4 = arith.muli %arg1, %mul3A_3 : i32
    "tpu.region"() ({
      %run_scoped3A = tpu.sem_alloc : memref<!tpu.dma_semaphore, #tpu.memory_space<semaphore_mem>>
      %dma_start3A_44 = arith.constant 0 : i32
      %dma_start3A_45 = tpu.memref_slice %arg11[%mul3A_4, %dma_start3A_44] : memref<10240x64xf32, #tpu.memory_space<vmem_shared>> -> memref<640x64xf32, #tpu.memory_space<vmem_shared>>
      %dma_start3A_46 = arith.constant 0 : i32
      %dma_start3A_47 = tpu.memref_slice %arg5[%mul3A_2, %dma_start3A_46] : memref<10240x64xf32, #tpu.memory_space<hbm>> -> memref<640x64xf32, #tpu.memory_space<hbm>>
      tpu.enqueue_dma source(%dma_start3A_47 : memref<640x64xf32, #tpu.memory_space<hbm>>) target(%dma_start3A_45 : memref<640x64xf32, #tpu.memory_space<vmem_shared>>) target_semaphore(%run_scoped3A : memref<!tpu.dma_semaphore, #tpu.memory_space<semaphore_mem>>)
      %dma_wait3A_48 = arith.constant 0 : i32
      %dma_wait3A_49 = tpu.memref_slice %arg11[%mul3A_4, %dma_wait3A_48] : memref<10240x64xf32, #tpu.memory_space<vmem_shared>> -> memref<640x64xf32, #tpu.memory_space<vmem_shared>>
      %dma_wait3A_50 = arith.constant 0 : i32
      %dma_wait3A_51 = tpu.memref_slice %arg5[%mul3A_2, %dma_wait3A_50] : memref<10240x64xf32, #tpu.memory_space<hbm>> -> memref<640x64xf32, #tpu.memory_space<hbm>>
      tpu.wait_dma2 semaphore(%run_scoped3A : memref<!tpu.dma_semaphore, #tpu.memory_space<semaphore_mem>>) src(%dma_wait3A_51 : memref<640x64xf32, #tpu.memory_space<hbm>>) dst(%dma_wait3A_49 : memref<640x64xf32, #tpu.memory_space<vmem_shared>>)
      tpu.yield
    }) : () -> ()
    %barrier3A = arith.constant 0 : index
    tpu.barrier barrier_id(%barrier3A)
    %dma_start3A = arith.constant 0 : i32
    %dma_start3A_5 = arith.constant 0 : i32
    %dma_start3A_6 = tpu.memref_slice %arg7[%dma_start3A, %dma_start3A_5] : memref<202x100xi32, #tpu.memory_space<vmem>> -> memref<1x100xi32, #tpu.memory_space<vmem>>
    %dma_start3A_7 = tpu.memref_squeeze %dma_start3A_6 : memref<1x100xi32, #tpu.memory_space<vmem>> -> memref<100xi32, #tpu.memory_space<vmem>>
    %dma_start3A_8 = arith.constant 0 : i32
    %dma_start3A_9 = arith.constant 0 : i32
    %dma_start3A_10 = tpu.memref_slice %arg4[%dma_start3A_8, %dma_start3A_9] : memref<20000x64xf32, #tpu.memory_space<hbm>> -> memref<20000x64xf32, #tpu.memory_space<hbm>>
    tpu.enqueue_indirect_dma source(%dma_start3A_10 : memref<20000x64xf32, #tpu.memory_space<hbm>>) target(%arg9 : memref<100x64xf32, #tpu.memory_space<vmem>>) offsets(%dma_start3A_7 : memref<100xi32, #tpu.memory_space<vmem>>) semaphore(%arg12 : memref<!tpu.dma_semaphore, #tpu.memory_space<semaphore_mem>>)
    %dma_start3A_11 = arith.constant 1 : i32
    %dma_start3A_12 = arith.constant 0 : i32
    %dma_start3A_13 = tpu.memref_slice %arg7[%dma_start3A_11, %dma_start3A_12] : memref<202x100xi32, #tpu.memory_space<vmem>> -> memref<1x100xi32, #tpu.memory_space<vmem>>
    %dma_start3A_14 = tpu.memref_squeeze %dma_start3A_13 : memref<1x100xi32, #tpu.memory_space<vmem>> -> memref<100xi32, #tpu.memory_space<vmem>>
    %dma_start3A_15 = arith.constant 0 : i32
    %dma_start3A_16 = arith.constant 0 : i32
    %dma_start3A_17 = tpu.memref_slice %arg4[%dma_start3A_15, %dma_start3A_16] : memref<20000x64xf32, #tpu.memory_space<hbm>> -> memref<20000x64xf32, #tpu.memory_space<hbm>>
    tpu.enqueue_indirect_dma source(%dma_start3A_17 : memref<20000x64xf32, #tpu.memory_space<hbm>>) target(%arg10 : memref<100x64xf32, #tpu.memory_space<vmem>>) offsets(%dma_start3A_14 : memref<100xi32, #tpu.memory_space<vmem>>) semaphore(%arg13 : memref<!tpu.dma_semaphore, #tpu.memory_space<semaphore_mem>>)
    %scan3A = arith.constant 0 : i32
    %scan3A_18 = arith.constant 0 : i32
    %scan3A_19 = arith.constant 100 : i32
    %scan3A_20 = arith.addi %scan3A_18, %scan3A_19 : i32
    %scan3A_21 = arith.constant 1 : i32
    scf.for %scan3A_44 = %scan3A_18 to %scan3A_20 step %scan3A_21  : i32 {
      %mul3A_45 = arith.constant 2 : i32
      %mul3A_46 = arith.muli %mul3A_45, %scan3A_44 : i32
      %dma_wait3A_47 = arith.constant 0 : i32
      %dma_wait3A_48 = tpu.memref_slice %arg7[%mul3A_46, %dma_wait3A_47] : memref<202x100xi32, #tpu.memory_space<vmem>> -> memref<1x100xi32, #tpu.memory_space<vmem>>
      %dma_wait3A_49 = tpu.memref_squeeze %dma_wait3A_48 : memref<1x100xi32, #tpu.memory_space<vmem>> -> memref<100xi32, #tpu.memory_space<vmem>>
      %dma_wait3A_50 = arith.constant 0 : i32
      %dma_wait3A_51 = arith.constant 0 : i32
      %dma_wait3A_52 = tpu.memref_slice %arg4[%dma_wait3A_50, %dma_wait3A_51] : memref<20000x64xf32, #tpu.memory_space<hbm>> -> memref<20000x64xf32, #tpu.memory_space<hbm>>
      tpu.wait_indirect_dma semaphore(%arg12 : memref<!tpu.dma_semaphore, #tpu.memory_space<semaphore_mem>>) src(%dma_wait3A_52 : memref<20000x64xf32, #tpu.memory_space<hbm>>) dst(%arg9 : memref<100x64xf32, #tpu.memory_space<vmem>>)
      "tpu.region"() ({
        %run_scoped3A = tpu.sem_alloc : memref<!tpu.dma_semaphore, #tpu.memory_space<semaphore_mem>>
        %dma_start3A_79 = arith.constant 0 : i32
        %dma_start3A_80 = tpu.memref_slice %arg8[%mul3A_46, %dma_start3A_79] : memref<202x100xi32, #tpu.memory_space<vmem>> -> memref<1x100xi32, #tpu.memory_space<vmem>>
        %dma_start3A_81 = tpu.memref_squeeze %dma_start3A_80 : memref<1x100xi32, #tpu.memory_space<vmem>> -> memref<100xi32, #tpu.memory_space<vmem>>
        %dma_start3A_82 = arith.constant 0 : i32
        %dma_start3A_83 = arith.constant 0 : i32
        %dma_start3A_84 = tpu.memref_slice %arg11[%dma_start3A_82, %dma_start3A_83] : memref<10240x64xf32, #tpu.memory_space<vmem_shared>> -> memref<10240x64xf32, #tpu.memory_space<vmem_shared>>
        tpu.enqueue_indirect_dma source(%arg9 : memref<100x64xf32, #tpu.memory_space<vmem>>) target(%dma_start3A_84 : memref<10240x64xf32, #tpu.memory_space<vmem_shared>>) offsets(%dma_start3A_81 : memref<100xi32, #tpu.memory_space<vmem>>) semaphore(%run_scoped3A : memref<!tpu.dma_semaphore, #tpu.memory_space<semaphore_mem>>) {add = true}
        %dma_wait3A_85 = arith.constant 0 : i32
        %dma_wait3A_86 = tpu.memref_slice %arg8[%mul3A_46, %dma_wait3A_85] : memref<202x100xi32, #tpu.memory_space<vmem>> -> memref<1x100xi32, #tpu.memory_space<vmem>>
        %dma_wait3A_87 = tpu.memref_squeeze %dma_wait3A_86 : memref<1x100xi32, #tpu.memory_space<vmem>> -> memref<100xi32, #tpu.memory_space<vmem>>
        %dma_wait3A_88 = arith.constant 0 : i32
        %dma_wait3A_89 = arith.constant 0 : i32
        %dma_wait3A_90 = tpu.memref_slice %arg11[%dma_wait3A_88, %dma_wait3A_89] : memref<10240x64xf32, #tpu.memory_space<vmem_shared>> -> memref<10240x64xf32, #tpu.memory_space<vmem_shared>>
        tpu.wait_indirect_dma semaphore(%run_scoped3A : memref<!tpu.dma_semaphore, #tpu.memory_space<semaphore_mem>>) src(%arg9 : memref<100x64xf32, #tpu.memory_space<vmem>>) dst(%dma_wait3A_90 : memref<10240x64xf32, #tpu.memory_space<vmem_shared>>)
        tpu.yield
      }) : () -> ()
      %add3A_53 = arith.constant 2 : i32
      %add3A_54 = arith.addi %mul3A_46, %add3A_53 : i32
      %dma_start3A_55 = arith.constant 0 : i32
      %dma_start3A_56 = tpu.memref_slice %arg7[%add3A_54, %dma_start3A_55] : memref<202x100xi32, #tpu.memory_space<vmem>> -> memref<1x100xi32, #tpu.memory_space<vmem>>
      %dma_start3A_57 = tpu.memref_squeeze %dma_start3A_56 : memref<1x100xi32, #tpu.memory_space<vmem>> -> memref<100xi32, #tpu.memory_space<vmem>>
      %dma_start3A_58 = arith.constant 0 : i32
      %dma_start3A_59 = arith.constant 0 : i32
      %dma_start3A_60 = tpu.memref_slice %arg4[%dma_start3A_58, %dma_start3A_59] : memref<20000x64xf32, #tpu.memory_space<hbm>> -> memref<20000x64xf32, #tpu.memory_space<hbm>>
      tpu.enqueue_indirect_dma source(%dma_start3A_60 : memref<20000x64xf32, #tpu.memory_space<hbm>>) target(%arg9 : memref<100x64xf32, #tpu.memory_space<vmem>>) offsets(%dma_start3A_57 : memref<100xi32, #tpu.memory_space<vmem>>) semaphore(%arg12 : memref<!tpu.dma_semaphore, #tpu.memory_space<semaphore_mem>>)
      %add3A_61 = arith.constant 1 : i32
      %add3A_62 = arith.addi %mul3A_46, %add3A_61 : i32
      %dma_wait3A_63 = arith.constant 0 : i32
      %dma_wait3A_64 = tpu.memref_slice %arg7[%add3A_62, %dma_wait3A_63] : memref<202x100xi32, #tpu.memory_space<vmem>> -> memref<1x100xi32, #tpu.memory_space<vmem>>
      %dma_wait3A_65 = tpu.memref_squeeze %dma_wait3A_64 : memref<1x100xi32, #tpu.memory_space<vmem>> -> memref<100xi32, #tpu.memory_space<vmem>>
      %dma_wait3A_66 = arith.constant 0 : i32
      %dma_wait3A_67 = arith.constant 0 : i32
      %dma_wait3A_68 = tpu.memref_slice %arg4[%dma_wait3A_66, %dma_wait3A_67] : memref<20000x64xf32, #tpu.memory_space<hbm>> -> memref<20000x64xf32, #tpu.memory_space<hbm>>
      tpu.wait_indirect_dma semaphore(%arg13 : memref<!tpu.dma_semaphore, #tpu.memory_space<semaphore_mem>>) src(%dma_wait3A_68 : memref<20000x64xf32, #tpu.memory_space<hbm>>) dst(%arg10 : memref<100x64xf32, #tpu.memory_space<vmem>>)
      %add3A_69 = arith.constant 1 : i32
      %add3A_70 = arith.addi %mul3A_46, %add3A_69 : i32
      "tpu.region"() ({
        %run_scoped3A = tpu.sem_alloc : memref<!tpu.dma_semaphore, #tpu.memory_space<semaphore_mem>>
        %dma_start3A_79 = arith.constant 0 : i32
        %dma_start3A_80 = tpu.memref_slice %arg8[%add3A_70, %dma_start3A_79] : memref<202x100xi32, #tpu.memory_space<vmem>> -> memref<1x100xi32, #tpu.memory_space<vmem>>
        %dma_start3A_81 = tpu.memref_squeeze %dma_start3A_80 : memref<1x100xi32, #tpu.memory_space<vmem>> -> memref<100xi32, #tpu.memory_space<vmem>>
        %dma_start3A_82 = arith.constant 0 : i32
        %dma_start3A_83 = arith.constant 0 : i32
        %dma_start3A_84 = tpu.memref_slice %arg11[%dma_start3A_82, %dma_start3A_83] : memref<10240x64xf32, #tpu.memory_space<vmem_shared>> -> memref<10240x64xf32, #tpu.memory_space<vmem_shared>>
        tpu.enqueue_indirect_dma source(%arg10 : memref<100x64xf32, #tpu.memory_space<vmem>>) target(%dma_start3A_84 : memref<10240x64xf32, #tpu.memory_space<vmem_shared>>) offsets(%dma_start3A_81 : memref<100xi32, #tpu.memory_space<vmem>>) semaphore(%run_scoped3A : memref<!tpu.dma_semaphore, #tpu.memory_space<semaphore_mem>>) {add = true}
        %dma_wait3A_85 = arith.constant 0 : i32
        %dma_wait3A_86 = tpu.memref_slice %arg8[%add3A_70, %dma_wait3A_85] : memref<202x100xi32, #tpu.memory_space<vmem>> -> memref<1x100xi32, #tpu.memory_space<vmem>>
        %dma_wait3A_87 = tpu.memref_squeeze %dma_wait3A_86 : memref<1x100xi32, #tpu.memory_space<vmem>> -> memref<100xi32, #tpu.memory_space<vmem>>
        %dma_wait3A_88 = arith.constant 0 : i32
        %dma_wait3A_89 = arith.constant 0 : i32
        %dma_wait3A_90 = tpu.memref_slice %arg11[%dma_wait3A_88, %dma_wait3A_89] : memref<10240x64xf32, #tpu.memory_space<vmem_shared>> -> memref<10240x64xf32, #tpu.memory_space<vmem_shared>>
        tpu.wait_indirect_dma semaphore(%run_scoped3A : memref<!tpu.dma_semaphore, #tpu.memory_space<semaphore_mem>>) src(%arg10 : memref<100x64xf32, #tpu.memory_space<vmem>>) dst(%dma_wait3A_90 : memref<10240x64xf32, #tpu.memory_space<vmem_shared>>)
        tpu.yield
      }) : () -> ()
      %add3A_71 = arith.constant 3 : i32
      %add3A_72 = arith.addi %mul3A_46, %add3A_71 : i32
      %dma_start3A_73 = arith.constant 0 : i32
      %dma_start3A_74 = tpu.memref_slice %arg7[%add3A_72, %dma_start3A_73] : memref<202x100xi32, #tpu.memory_space<vmem>> -> memref<1x100xi32, #tpu.memory_space<vmem>>
      %dma_start3A_75 = tpu.memref_squeeze %dma_start3A_74 : memref<1x100xi32, #tpu.memory_space<vmem>> -> memref<100xi32, #tpu.memory_space<vmem>>
      %dma_start3A_76 = arith.constant 0 : i32
      %dma_start3A_77 = arith.constant 0 : i32
      %dma_start3A_78 = tpu.memref_slice %arg4[%dma_start3A_76, %dma_start3A_77] : memref<20000x64xf32, #tpu.memory_space<hbm>> -> memref<20000x64xf32, #tpu.memory_space<hbm>>
      tpu.enqueue_indirect_dma source(%dma_start3A_78 : memref<20000x64xf32, #tpu.memory_space<hbm>>) target(%arg10 : memref<100x64xf32, #tpu.memory_space<vmem>>) offsets(%dma_start3A_75 : memref<100xi32, #tpu.memory_space<vmem>>) semaphore(%arg13 : memref<!tpu.dma_semaphore, #tpu.memory_space<semaphore_mem>>)
    }
    %scan3A_22 = arith.constant 100 : i32
    %dma_wait3A = arith.constant 0 : i32
    %dma_wait3A_23 = arith.constant 0 : i32
    %dma_wait3A_24 = tpu.memref_slice %arg7[%dma_wait3A, %dma_wait3A_23] : memref<202x100xi32, #tpu.memory_space<vmem>> -> memref<1x100xi32, #tpu.memory_space<vmem>>
    %dma_wait3A_25 = tpu.memref_squeeze %dma_wait3A_24 : memref<1x100xi32, #tpu.memory_space<vmem>> -> memref<100xi32, #tpu.memory_space<vmem>>
    %dma_wait3A_26 = arith.constant 0 : i32
    %dma_wait3A_27 = arith.constant 0 : i32
    %dma_wait3A_28 = tpu.memref_slice %arg4[%dma_wait3A_26, %dma_wait3A_27] : memref<20000x64xf32, #tpu.memory_space<hbm>> -> memref<20000x64xf32, #tpu.memory_space<hbm>>
    tpu.wait_indirect_dma semaphore(%arg12 : memref<!tpu.dma_semaphore, #tpu.memory_space<semaphore_mem>>) src(%dma_wait3A_28 : memref<20000x64xf32, #tpu.memory_space<hbm>>) dst(%arg9 : memref<100x64xf32, #tpu.memory_space<vmem>>)
    %dma_wait3A_29 = arith.constant 1 : i32
    %dma_wait3A_30 = arith.constant 0 : i32
    %dma_wait3A_31 = tpu.memref_slice %arg7[%dma_wait3A_29, %dma_wait3A_30] : memref<202x100xi32, #tpu.memory_space<vmem>> -> memref<1x100xi32, #tpu.memory_space<vmem>>
    %dma_wait3A_32 = tpu.memref_squeeze %dma_wait3A_31 : memref<1x100xi32, #tpu.memory_space<vmem>> -> memref<100xi32, #tpu.memory_space<vmem>>
    %dma_wait3A_33 = arith.constant 0 : i32
    %dma_wait3A_34 = arith.constant 0 : i32
    %dma_wait3A_35 = tpu.memref_slice %arg4[%dma_wait3A_33, %dma_wait3A_34] : memref<20000x64xf32, #tpu.memory_space<hbm>> -> memref<20000x64xf32, #tpu.memory_space<hbm>>
    tpu.wait_indirect_dma semaphore(%arg13 : memref<!tpu.dma_semaphore, #tpu.memory_space<semaphore_mem>>) src(%dma_wait3A_35 : memref<20000x64xf32, #tpu.memory_space<hbm>>) dst(%arg10 : memref<100x64xf32, #tpu.memory_space<vmem>>)
    %barrier3A_36 = arith.constant 0 : index
    tpu.barrier barrier_id(%barrier3A_36)
    %mul3A_37 = arith.constant 640 : i32
    %mul3A_38 = arith.muli %arg1, %mul3A_37 : i32
    %mul3A_39 = arith.constant 10240 : i32
    %mul3A_40 = arith.muli %arg0, %mul3A_39 : i32
    %mul3A_41 = arith.constant 640 : i32
    %mul3A_42 = arith.muli %arg1, %mul3A_41 : i32
    %add3A_43 = arith.addi %mul3A_40, %mul3A_42 : i32
    "tpu.region"() ({
      %run_scoped3A = tpu.sem_alloc : memref<!tpu.dma_semaphore, #tpu.memory_space<semaphore_mem>>
      %dma_start3A_44 = arith.constant 0 : i32
      %dma_start3A_45 = tpu.memref_slice %arg6[%add3A_43, %dma_start3A_44] : memref<20480x64xf32, #tpu.memory_space<hbm>> -> memref<640x64xf32, #tpu.memory_space<hbm>>
      %dma_start3A_46 = arith.constant 0 : i32
      %dma_start3A_47 = tpu.memref_slice %arg11[%mul3A_38, %dma_start3A_46] : memref<10240x64xf32, #tpu.memory_space<vmem_shared>> -> memref<640x64xf32, #tpu.memory_space<vmem_shared>>
      tpu.enqueue_dma source(%dma_start3A_47 : memref<640x64xf32, #tpu.memory_space<vmem_shared>>) target(%dma_start3A_45 : memref<640x64xf32, #tpu.memory_space<hbm>>) target_semaphore(%run_scoped3A : memref<!tpu.dma_semaphore, #tpu.memory_space<semaphore_mem>>)
      %dma_wait3A_48 = arith.constant 0 : i32
      %dma_wait3A_49 = tpu.memref_slice %arg6[%add3A_43, %dma_wait3A_48] : memref<20480x64xf32, #tpu.memory_space<hbm>> -> memref<640x64xf32, #tpu.memory_space<hbm>>
      %dma_wait3A_50 = arith.constant 0 : i32
      %dma_wait3A_51 = tpu.memref_slice %arg11[%mul3A_38, %dma_wait3A_50] : memref<10240x64xf32, #tpu.memory_space<vmem_shared>> -> memref<640x64xf32, #tpu.memory_space<vmem_shared>>
      tpu.wait_dma2 semaphore(%run_scoped3A : memref<!tpu.dma_semaphore, #tpu.memory_space<semaphore_mem>>) src(%dma_wait3A_51 : memref<640x64xf32, #tpu.memory_space<vmem_shared>>) dst(%dma_wait3A_49 : memref<640x64xf32, #tpu.memory_space<hbm>>)
      tpu.yield
    }) : () -> ()
    return
  }
}

#map = affine_map<(d0, d1) -> (0, 0, 0)>
#map1 = affine_map<(d0, d1) -> (0, 0)>
module attributes {stable_mosaic.version = 14 : i64} {
  func.func @_deg_body(%arg0: i32, %arg1: i32, %arg2: memref<16x202x100xi32, #tpu.memory_space<hbm>>, %arg3: memref<10240x16xf32, #tpu.memory_space<hbm>>, %arg4: memref<100x16xf32, #tpu.memory_space<hbm>>, %arg5: memref<20480x16xf32, #tpu.memory_space<hbm>>, %arg6: memref<202x100xi32, #tpu.memory_space<vmem>>, %arg7: memref<100x16xf32, #tpu.memory_space<vmem>>, %arg8: memref<10240x16xf32, #tpu.memory_space<vmem_shared>>) attributes {dimension_semantics = [#tpu.dimension_semantics<core_parallel>, #tpu.dimension_semantics<subcore_parallel>], iteration_bounds = array<i64: 2, 16>, scalar_prefetch = 0 : i64, scratch_operands = 3 : i64, tpu.core_type = #tpu.core_type<sc_vector_subcore>, window_params = [{transform_indices = #map}, {transform_indices = #map1}, {transform_indices = #map1}, {transform_indices = #map1}]} {
    "tpu.region"() ({
      %run_scoped3A = tpu.sem_alloc : memref<!tpu.dma_semaphore, #tpu.memory_space<semaphore_mem>>
      %dma_start3A = arith.constant 0 : i32
      %dma_start3A_15 = arith.constant 0 : i32
      %dma_start3A_16 = tpu.memref_slice %arg2[%arg1, %dma_start3A, %dma_start3A_15] : memref<16x202x100xi32, #tpu.memory_space<hbm>> -> memref<1x202x100xi32, #tpu.memory_space<hbm>>
      %dma_start3A_17 = tpu.memref_squeeze %dma_start3A_16 : memref<1x202x100xi32, #tpu.memory_space<hbm>> -> memref<202x100xi32, #tpu.memory_space<hbm>>
      %dma_start3A_18 = arith.constant 0 : i32
      %dma_start3A_19 = arith.constant 0 : i32
      %dma_start3A_20 = tpu.memref_slice %arg2[%arg1, %dma_start3A_18, %dma_start3A_19] : memref<16x202x100xi32, #tpu.memory_space<hbm>> -> memref<1x202x100xi32, #tpu.memory_space<hbm>>
      %dma_start3A_21 = tpu.memref_squeeze %dma_start3A_20 : memref<1x202x100xi32, #tpu.memory_space<hbm>> -> memref<202x100xi32, #tpu.memory_space<hbm>>
      tpu.enqueue_dma source(%dma_start3A_21 : memref<202x100xi32, #tpu.memory_space<hbm>>) target(%arg6 : memref<202x100xi32, #tpu.memory_space<vmem>>) target_semaphore(%run_scoped3A : memref<!tpu.dma_semaphore, #tpu.memory_space<semaphore_mem>>)
      %dma_wait3A = arith.constant 0 : i32
      %dma_wait3A_22 = arith.constant 0 : i32
      %dma_wait3A_23 = tpu.memref_slice %arg2[%arg1, %dma_wait3A, %dma_wait3A_22] : memref<16x202x100xi32, #tpu.memory_space<hbm>> -> memref<1x202x100xi32, #tpu.memory_space<hbm>>
      %dma_wait3A_24 = tpu.memref_squeeze %dma_wait3A_23 : memref<1x202x100xi32, #tpu.memory_space<hbm>> -> memref<202x100xi32, #tpu.memory_space<hbm>>
      %dma_wait3A_25 = arith.constant 0 : i32
      %dma_wait3A_26 = arith.constant 0 : i32
      %dma_wait3A_27 = tpu.memref_slice %arg2[%arg1, %dma_wait3A_25, %dma_wait3A_26] : memref<16x202x100xi32, #tpu.memory_space<hbm>> -> memref<1x202x100xi32, #tpu.memory_space<hbm>>
      %dma_wait3A_28 = tpu.memref_squeeze %dma_wait3A_27 : memref<1x202x100xi32, #tpu.memory_space<hbm>> -> memref<202x100xi32, #tpu.memory_space<hbm>>
      tpu.wait_dma2 semaphore(%run_scoped3A : memref<!tpu.dma_semaphore, #tpu.memory_space<semaphore_mem>>) src(%dma_wait3A_28 : memref<202x100xi32, #tpu.memory_space<hbm>>) dst(%arg6 : memref<202x100xi32, #tpu.memory_space<vmem>>)
      tpu.yield
    }) : () -> ()
    "tpu.region"() ({
      %run_scoped3A = tpu.sem_alloc : memref<!tpu.dma_semaphore, #tpu.memory_space<semaphore_mem>>
      tpu.enqueue_dma source(%arg4 : memref<100x16xf32, #tpu.memory_space<hbm>>) target(%arg7 : memref<100x16xf32, #tpu.memory_space<vmem>>) target_semaphore(%run_scoped3A : memref<!tpu.dma_semaphore, #tpu.memory_space<semaphore_mem>>)
      tpu.wait_dma2 semaphore(%run_scoped3A : memref<!tpu.dma_semaphore, #tpu.memory_space<semaphore_mem>>) src(%arg4 : memref<100x16xf32, #tpu.memory_space<hbm>>) dst(%arg7 : memref<100x16xf32, #tpu.memory_space<vmem>>)
      tpu.yield
    }) : () -> ()
    %mul3A = arith.constant 640 : i32
    %mul3A_0 = arith.muli %arg1, %mul3A : i32
    %mul3A_1 = arith.constant 640 : i32
    %mul3A_2 = arith.muli %arg1, %mul3A_1 : i32
    "tpu.region"() ({
      %run_scoped3A = tpu.sem_alloc : memref<!tpu.dma_semaphore, #tpu.memory_space<semaphore_mem>>
      %dma_start3A = arith.constant 0 : i32
      %dma_start3A_15 = tpu.memref_slice %arg8[%mul3A_2, %dma_start3A] : memref<10240x16xf32, #tpu.memory_space<vmem_shared>> -> memref<640x16xf32, #tpu.memory_space<vmem_shared>>
      %dma_start3A_16 = arith.constant 0 : i32
      %dma_start3A_17 = tpu.memref_slice %arg3[%mul3A_0, %dma_start3A_16] : memref<10240x16xf32, #tpu.memory_space<hbm>> -> memref<640x16xf32, #tpu.memory_space<hbm>>
      tpu.enqueue_dma source(%dma_start3A_17 : memref<640x16xf32, #tpu.memory_space<hbm>>) target(%dma_start3A_15 : memref<640x16xf32, #tpu.memory_space<vmem_shared>>) target_semaphore(%run_scoped3A : memref<!tpu.dma_semaphore, #tpu.memory_space<semaphore_mem>>)
      %dma_wait3A = arith.constant 0 : i32
      %dma_wait3A_18 = tpu.memref_slice %arg8[%mul3A_2, %dma_wait3A] : memref<10240x16xf32, #tpu.memory_space<vmem_shared>> -> memref<640x16xf32, #tpu.memory_space<vmem_shared>>
      %dma_wait3A_19 = arith.constant 0 : i32
      %dma_wait3A_20 = tpu.memref_slice %arg3[%mul3A_0, %dma_wait3A_19] : memref<10240x16xf32, #tpu.memory_space<hbm>> -> memref<640x16xf32, #tpu.memory_space<hbm>>
      tpu.wait_dma2 semaphore(%run_scoped3A : memref<!tpu.dma_semaphore, #tpu.memory_space<semaphore_mem>>) src(%dma_wait3A_20 : memref<640x16xf32, #tpu.memory_space<hbm>>) dst(%dma_wait3A_18 : memref<640x16xf32, #tpu.memory_space<vmem_shared>>)
      tpu.yield
    }) : () -> ()
    %barrier3A = arith.constant 0 : index
    tpu.barrier barrier_id(%barrier3A)
    %scan3A = arith.constant 0 : i32
    %scan3A_3 = arith.constant 0 : i32
    %scan3A_4 = arith.constant 200 : i32
    %scan3A_5 = arith.addi %scan3A_3, %scan3A_4 : i32
    %scan3A_6 = arith.constant 1 : i32
    scf.for %scan3A_15 = %scan3A_3 to %scan3A_5 step %scan3A_6  : i32 {
      "tpu.region"() ({
        %run_scoped3A = tpu.sem_alloc : memref<!tpu.dma_semaphore, #tpu.memory_space<semaphore_mem>>
        %dma_start3A = arith.constant 0 : i32
        %dma_start3A_16 = tpu.memref_slice %arg6[%scan3A_15, %dma_start3A] : memref<202x100xi32, #tpu.memory_space<vmem>> -> memref<1x100xi32, #tpu.memory_space<vmem>>
        %dma_start3A_17 = tpu.memref_squeeze %dma_start3A_16 : memref<1x100xi32, #tpu.memory_space<vmem>> -> memref<100xi32, #tpu.memory_space<vmem>>
        %dma_start3A_18 = arith.constant 0 : i32
        %dma_start3A_19 = arith.constant 0 : i32
        %dma_start3A_20 = tpu.memref_slice %arg8[%dma_start3A_18, %dma_start3A_19] : memref<10240x16xf32, #tpu.memory_space<vmem_shared>> -> memref<10240x16xf32, #tpu.memory_space<vmem_shared>>
        tpu.enqueue_indirect_dma source(%arg7 : memref<100x16xf32, #tpu.memory_space<vmem>>) target(%dma_start3A_20 : memref<10240x16xf32, #tpu.memory_space<vmem_shared>>) offsets(%dma_start3A_17 : memref<100xi32, #tpu.memory_space<vmem>>) semaphore(%run_scoped3A : memref<!tpu.dma_semaphore, #tpu.memory_space<semaphore_mem>>) {add = true}
        %dma_wait3A = arith.constant 0 : i32
        %dma_wait3A_21 = tpu.memref_slice %arg6[%scan3A_15, %dma_wait3A] : memref<202x100xi32, #tpu.memory_space<vmem>> -> memref<1x100xi32, #tpu.memory_space<vmem>>
        %dma_wait3A_22 = tpu.memref_squeeze %dma_wait3A_21 : memref<1x100xi32, #tpu.memory_space<vmem>> -> memref<100xi32, #tpu.memory_space<vmem>>
        %dma_wait3A_23 = arith.constant 0 : i32
        %dma_wait3A_24 = arith.constant 0 : i32
        %dma_wait3A_25 = tpu.memref_slice %arg8[%dma_wait3A_23, %dma_wait3A_24] : memref<10240x16xf32, #tpu.memory_space<vmem_shared>> -> memref<10240x16xf32, #tpu.memory_space<vmem_shared>>
        tpu.wait_indirect_dma semaphore(%run_scoped3A : memref<!tpu.dma_semaphore, #tpu.memory_space<semaphore_mem>>) src(%arg7 : memref<100x16xf32, #tpu.memory_space<vmem>>) dst(%dma_wait3A_25 : memref<10240x16xf32, #tpu.memory_space<vmem_shared>>)
        tpu.yield
      }) : () -> ()
    }
    %scan3A_7 = arith.constant 200 : i32
    %barrier3A_8 = arith.constant 0 : index
    tpu.barrier barrier_id(%barrier3A_8)
    %mul3A_9 = arith.constant 640 : i32
    %mul3A_10 = arith.muli %arg1, %mul3A_9 : i32
    %mul3A_11 = arith.constant 10240 : i32
    %mul3A_12 = arith.muli %arg0, %mul3A_11 : i32
    %mul3A_13 = arith.constant 640 : i32
    %mul3A_14 = arith.muli %arg1, %mul3A_13 : i32
    %add3A = arith.addi %mul3A_12, %mul3A_14 : i32
    "tpu.region"() ({
      %run_scoped3A = tpu.sem_alloc : memref<!tpu.dma_semaphore, #tpu.memory_space<semaphore_mem>>
      %dma_start3A = arith.constant 0 : i32
      %dma_start3A_15 = tpu.memref_slice %arg5[%add3A, %dma_start3A] : memref<20480x16xf32, #tpu.memory_space<hbm>> -> memref<640x16xf32, #tpu.memory_space<hbm>>
      %dma_start3A_16 = arith.constant 0 : i32
      %dma_start3A_17 = tpu.memref_slice %arg8[%mul3A_10, %dma_start3A_16] : memref<10240x16xf32, #tpu.memory_space<vmem_shared>> -> memref<640x16xf32, #tpu.memory_space<vmem_shared>>
      tpu.enqueue_dma source(%dma_start3A_17 : memref<640x16xf32, #tpu.memory_space<vmem_shared>>) target(%dma_start3A_15 : memref<640x16xf32, #tpu.memory_space<hbm>>) target_semaphore(%run_scoped3A : memref<!tpu.dma_semaphore, #tpu.memory_space<semaphore_mem>>)
      %dma_wait3A = arith.constant 0 : i32
      %dma_wait3A_18 = tpu.memref_slice %arg5[%add3A, %dma_wait3A] : memref<20480x16xf32, #tpu.memory_space<hbm>> -> memref<640x16xf32, #tpu.memory_space<hbm>>
      %dma_wait3A_19 = arith.constant 0 : i32
      %dma_wait3A_20 = tpu.memref_slice %arg8[%mul3A_10, %dma_wait3A_19] : memref<10240x16xf32, #tpu.memory_space<vmem_shared>> -> memref<640x16xf32, #tpu.memory_space<vmem_shared>>
      tpu.wait_dma2 semaphore(%run_scoped3A : memref<!tpu.dma_semaphore, #tpu.memory_space<semaphore_mem>>) src(%dma_wait3A_20 : memref<640x16xf32, #tpu.memory_space<vmem_shared>>) dst(%dma_wait3A_18 : memref<640x16xf32, #tpu.memory_space<hbm>>)
      tpu.yield
    }) : () -> ()
    return
  }
}

#map = affine_map<(d0, d1) -> (0, 0, 0)>
#map1 = affine_map<(d0, d1) -> (0, 0)>
module attributes {stable_mosaic.version = 14 : i64} {
  func.func @_edge_body(%arg0: i32, %arg1: i32, %arg2: memref<32x202x100xi32, #tpu.memory_space<hbm>>, %arg3: memref<16x202x100xi32, #tpu.memory_space<hbm>>, %arg4: memref<20000x64xf32, #tpu.memory_space<hbm>>, %arg5: memref<10240x64xf32, #tpu.memory_space<hbm>>, %arg6: memref<20480x64xf32, #tpu.memory_space<hbm>>, %arg7: memref<202x100xi32, #tpu.memory_space<vmem>>, %arg8: memref<202x100xi32, #tpu.memory_space<vmem>>, %arg9: memref<100x64xf32, #tpu.memory_space<vmem>>, %arg10: memref<100x64xf32, #tpu.memory_space<vmem>>, %arg11: memref<10240x64xf32, #tpu.memory_space<vmem_shared>>, %arg12: memref<!tpu.dma_semaphore, #tpu.memory_space<semaphore_mem>>, %arg13: memref<!tpu.dma_semaphore, #tpu.memory_space<semaphore_mem>>) attributes {dimension_semantics = [#tpu.dimension_semantics<core_parallel>, #tpu.dimension_semantics<subcore_parallel>], iteration_bounds = array<i64: 2, 16>, scalar_prefetch = 0 : i64, scratch_operands = 7 : i64, tpu.core_type = #tpu.core_type<sc_vector_subcore>, window_params = [{transform_indices = #map}, {transform_indices = #map}, {transform_indices = #map1}, {transform_indices = #map1}, {transform_indices = #map1}]} {
    %mul3A = arith.constant 16 : i32
    %mul3A_0 = arith.muli %arg0, %mul3A : i32
    %add3A = arith.addi %mul3A_0, %arg1 : i32
    "tpu.region"() ({
      %run_scoped3A = tpu.sem_alloc : memref<!tpu.dma_semaphore, #tpu.memory_space<semaphore_mem>>
      %dma_start3A_44 = arith.constant 0 : i32
      %dma_start3A_45 = arith.constant 0 : i32
      %dma_start3A_46 = tpu.memref_slice %arg2[%add3A, %dma_start3A_44, %dma_start3A_45] : memref<32x202x100xi32, #tpu.memory_space<hbm>> -> memref<1x202x100xi32, #tpu.memory_space<hbm>>
      %dma_start3A_47 = tpu.memref_squeeze %dma_start3A_46 : memref<1x202x100xi32, #tpu.memory_space<hbm>> -> memref<202x100xi32, #tpu.memory_space<hbm>>
      %dma_start3A_48 = arith.constant 0 : i32
      %dma_start3A_49 = arith.constant 0 : i32
      %dma_start3A_50 = tpu.memref_slice %arg2[%add3A, %dma_start3A_48, %dma_start3A_49] : memref<32x202x100xi32, #tpu.memory_space<hbm>> -> memref<1x202x100xi32, #tpu.memory_space<hbm>>
      %dma_start3A_51 = tpu.memref_squeeze %dma_start3A_50 : memref<1x202x100xi32, #tpu.memory_space<hbm>> -> memref<202x100xi32, #tpu.memory_space<hbm>>
      tpu.enqueue_dma source(%dma_start3A_51 : memref<202x100xi32, #tpu.memory_space<hbm>>) target(%arg7 : memref<202x100xi32, #tpu.memory_space<vmem>>) target_semaphore(%run_scoped3A : memref<!tpu.dma_semaphore, #tpu.memory_space<semaphore_mem>>)
      %dma_wait3A_52 = arith.constant 0 : i32
      %dma_wait3A_53 = arith.constant 0 : i32
      %dma_wait3A_54 = tpu.memref_slice %arg2[%add3A, %dma_wait3A_52, %dma_wait3A_53] : memref<32x202x100xi32, #tpu.memory_space<hbm>> -> memref<1x202x100xi32, #tpu.memory_space<hbm>>
      %dma_wait3A_55 = tpu.memref_squeeze %dma_wait3A_54 : memref<1x202x100xi32, #tpu.memory_space<hbm>> -> memref<202x100xi32, #tpu.memory_space<hbm>>
      %dma_wait3A_56 = arith.constant 0 : i32
      %dma_wait3A_57 = arith.constant 0 : i32
      %dma_wait3A_58 = tpu.memref_slice %arg2[%add3A, %dma_wait3A_56, %dma_wait3A_57] : memref<32x202x100xi32, #tpu.memory_space<hbm>> -> memref<1x202x100xi32, #tpu.memory_space<hbm>>
      %dma_wait3A_59 = tpu.memref_squeeze %dma_wait3A_58 : memref<1x202x100xi32, #tpu.memory_space<hbm>> -> memref<202x100xi32, #tpu.memory_space<hbm>>
      tpu.wait_dma2 semaphore(%run_scoped3A : memref<!tpu.dma_semaphore, #tpu.memory_space<semaphore_mem>>) src(%dma_wait3A_59 : memref<202x100xi32, #tpu.memory_space<hbm>>) dst(%arg7 : memref<202x100xi32, #tpu.memory_space<vmem>>)
      tpu.yield
    }) : () -> ()
    "tpu.region"() ({
      %run_scoped3A = tpu.sem_alloc : memref<!tpu.dma_semaphore, #tpu.memory_space<semaphore_mem>>
      %dma_start3A_44 = arith.constant 0 : i32
      %dma_start3A_45 = arith.constant 0 : i32
      %dma_start3A_46 = tpu.memref_slice %arg3[%arg1, %dma_start3A_44, %dma_start3A_45] : memref<16x202x100xi32, #tpu.memory_space<hbm>> -> memref<1x202x100xi32, #tpu.memory_space<hbm>>
      %dma_start3A_47 = tpu.memref_squeeze %dma_start3A_46 : memref<1x202x100xi32, #tpu.memory_space<hbm>> -> memref<202x100xi32, #tpu.memory_space<hbm>>
      %dma_start3A_48 = arith.constant 0 : i32
      %dma_start3A_49 = arith.constant 0 : i32
      %dma_start3A_50 = tpu.memref_slice %arg3[%arg1, %dma_start3A_48, %dma_start3A_49] : memref<16x202x100xi32, #tpu.memory_space<hbm>> -> memref<1x202x100xi32, #tpu.memory_space<hbm>>
      %dma_start3A_51 = tpu.memref_squeeze %dma_start3A_50 : memref<1x202x100xi32, #tpu.memory_space<hbm>> -> memref<202x100xi32, #tpu.memory_space<hbm>>
      tpu.enqueue_dma source(%dma_start3A_51 : memref<202x100xi32, #tpu.memory_space<hbm>>) target(%arg8 : memref<202x100xi32, #tpu.memory_space<vmem>>) target_semaphore(%run_scoped3A : memref<!tpu.dma_semaphore, #tpu.memory_space<semaphore_mem>>)
      %dma_wait3A_52 = arith.constant 0 : i32
      %dma_wait3A_53 = arith.constant 0 : i32
      %dma_wait3A_54 = tpu.memref_slice %arg3[%arg1, %dma_wait3A_52, %dma_wait3A_53] : memref<16x202x100xi32, #tpu.memory_space<hbm>> -> memref<1x202x100xi32, #tpu.memory_space<hbm>>
      %dma_wait3A_55 = tpu.memref_squeeze %dma_wait3A_54 : memref<1x202x100xi32, #tpu.memory_space<hbm>> -> memref<202x100xi32, #tpu.memory_space<hbm>>
      %dma_wait3A_56 = arith.constant 0 : i32
      %dma_wait3A_57 = arith.constant 0 : i32
      %dma_wait3A_58 = tpu.memref_slice %arg3[%arg1, %dma_wait3A_56, %dma_wait3A_57] : memref<16x202x100xi32, #tpu.memory_space<hbm>> -> memref<1x202x100xi32, #tpu.memory_space<hbm>>
      %dma_wait3A_59 = tpu.memref_squeeze %dma_wait3A_58 : memref<1x202x100xi32, #tpu.memory_space<hbm>> -> memref<202x100xi32, #tpu.memory_space<hbm>>
      tpu.wait_dma2 semaphore(%run_scoped3A : memref<!tpu.dma_semaphore, #tpu.memory_space<semaphore_mem>>) src(%dma_wait3A_59 : memref<202x100xi32, #tpu.memory_space<hbm>>) dst(%arg8 : memref<202x100xi32, #tpu.memory_space<vmem>>)
      tpu.yield
    }) : () -> ()
    %mul3A_1 = arith.constant 640 : i32
    %mul3A_2 = arith.muli %arg1, %mul3A_1 : i32
    %mul3A_3 = arith.constant 640 : i32
    %mul3A_4 = arith.muli %arg1, %mul3A_3 : i32
    "tpu.region"() ({
      %run_scoped3A = tpu.sem_alloc : memref<!tpu.dma_semaphore, #tpu.memory_space<semaphore_mem>>
      %dma_start3A_44 = arith.constant 0 : i32
      %dma_start3A_45 = tpu.memref_slice %arg11[%mul3A_4, %dma_start3A_44] : memref<10240x64xf32, #tpu.memory_space<vmem_shared>> -> memref<640x64xf32, #tpu.memory_space<vmem_shared>>
      %dma_start3A_46 = arith.constant 0 : i32
      %dma_start3A_47 = tpu.memref_slice %arg5[%mul3A_2, %dma_start3A_46] : memref<10240x64xf32, #tpu.memory_space<hbm>> -> memref<640x64xf32, #tpu.memory_space<hbm>>
      tpu.enqueue_dma source(%dma_start3A_47 : memref<640x64xf32, #tpu.memory_space<hbm>>) target(%dma_start3A_45 : memref<640x64xf32, #tpu.memory_space<vmem_shared>>) target_semaphore(%run_scoped3A : memref<!tpu.dma_semaphore, #tpu.memory_space<semaphore_mem>>)
      %dma_wait3A_48 = arith.constant 0 : i32
      %dma_wait3A_49 = tpu.memref_slice %arg11[%mul3A_4, %dma_wait3A_48] : memref<10240x64xf32, #tpu.memory_space<vmem_shared>> -> memref<640x64xf32, #tpu.memory_space<vmem_shared>>
      %dma_wait3A_50 = arith.constant 0 : i32
      %dma_wait3A_51 = tpu.memref_slice %arg5[%mul3A_2, %dma_wait3A_50] : memref<10240x64xf32, #tpu.memory_space<hbm>> -> memref<640x64xf32, #tpu.memory_space<hbm>>
      tpu.wait_dma2 semaphore(%run_scoped3A : memref<!tpu.dma_semaphore, #tpu.memory_space<semaphore_mem>>) src(%dma_wait3A_51 : memref<640x64xf32, #tpu.memory_space<hbm>>) dst(%dma_wait3A_49 : memref<640x64xf32, #tpu.memory_space<vmem_shared>>)
      tpu.yield
    }) : () -> ()
    %barrier3A = arith.constant 0 : index
    tpu.barrier barrier_id(%barrier3A)
    %dma_start3A = arith.constant 0 : i32
    %dma_start3A_5 = arith.constant 0 : i32
    %dma_start3A_6 = tpu.memref_slice %arg7[%dma_start3A, %dma_start3A_5] : memref<202x100xi32, #tpu.memory_space<vmem>> -> memref<1x100xi32, #tpu.memory_space<vmem>>
    %dma_start3A_7 = tpu.memref_squeeze %dma_start3A_6 : memref<1x100xi32, #tpu.memory_space<vmem>> -> memref<100xi32, #tpu.memory_space<vmem>>
    %dma_start3A_8 = arith.constant 0 : i32
    %dma_start3A_9 = arith.constant 0 : i32
    %dma_start3A_10 = tpu.memref_slice %arg4[%dma_start3A_8, %dma_start3A_9] : memref<20000x64xf32, #tpu.memory_space<hbm>> -> memref<20000x64xf32, #tpu.memory_space<hbm>>
    tpu.enqueue_indirect_dma source(%dma_start3A_10 : memref<20000x64xf32, #tpu.memory_space<hbm>>) target(%arg9 : memref<100x64xf32, #tpu.memory_space<vmem>>) offsets(%dma_start3A_7 : memref<100xi32, #tpu.memory_space<vmem>>) semaphore(%arg12 : memref<!tpu.dma_semaphore, #tpu.memory_space<semaphore_mem>>)
    %dma_start3A_11 = arith.constant 1 : i32
    %dma_start3A_12 = arith.constant 0 : i32
    %dma_start3A_13 = tpu.memref_slice %arg7[%dma_start3A_11, %dma_start3A_12] : memref<202x100xi32, #tpu.memory_space<vmem>> -> memref<1x100xi32, #tpu.memory_space<vmem>>
    %dma_start3A_14 = tpu.memref_squeeze %dma_start3A_13 : memref<1x100xi32, #tpu.memory_space<vmem>> -> memref<100xi32, #tpu.memory_space<vmem>>
    %dma_start3A_15 = arith.constant 0 : i32
    %dma_start3A_16 = arith.constant 0 : i32
    %dma_start3A_17 = tpu.memref_slice %arg4[%dma_start3A_15, %dma_start3A_16] : memref<20000x64xf32, #tpu.memory_space<hbm>> -> memref<20000x64xf32, #tpu.memory_space<hbm>>
    tpu.enqueue_indirect_dma source(%dma_start3A_17 : memref<20000x64xf32, #tpu.memory_space<hbm>>) target(%arg10 : memref<100x64xf32, #tpu.memory_space<vmem>>) offsets(%dma_start3A_14 : memref<100xi32, #tpu.memory_space<vmem>>) semaphore(%arg13 : memref<!tpu.dma_semaphore, #tpu.memory_space<semaphore_mem>>)
    %scan3A = arith.constant 0 : i32
    %scan3A_18 = arith.constant 0 : i32
    %scan3A_19 = arith.constant 100 : i32
    %scan3A_20 = arith.addi %scan3A_18, %scan3A_19 : i32
    %scan3A_21 = arith.constant 1 : i32
    scf.for %scan3A_44 = %scan3A_18 to %scan3A_20 step %scan3A_21  : i32 {
      %mul3A_45 = arith.constant 2 : i32
      %mul3A_46 = arith.muli %mul3A_45, %scan3A_44 : i32
      %dma_wait3A_47 = arith.constant 0 : i32
      %dma_wait3A_48 = tpu.memref_slice %arg7[%mul3A_46, %dma_wait3A_47] : memref<202x100xi32, #tpu.memory_space<vmem>> -> memref<1x100xi32, #tpu.memory_space<vmem>>
      %dma_wait3A_49 = tpu.memref_squeeze %dma_wait3A_48 : memref<1x100xi32, #tpu.memory_space<vmem>> -> memref<100xi32, #tpu.memory_space<vmem>>
      %dma_wait3A_50 = arith.constant 0 : i32
      %dma_wait3A_51 = arith.constant 0 : i32
      %dma_wait3A_52 = tpu.memref_slice %arg4[%dma_wait3A_50, %dma_wait3A_51] : memref<20000x64xf32, #tpu.memory_space<hbm>> -> memref<20000x64xf32, #tpu.memory_space<hbm>>
      tpu.wait_indirect_dma semaphore(%arg12 : memref<!tpu.dma_semaphore, #tpu.memory_space<semaphore_mem>>) src(%dma_wait3A_52 : memref<20000x64xf32, #tpu.memory_space<hbm>>) dst(%arg9 : memref<100x64xf32, #tpu.memory_space<vmem>>)
      "tpu.region"() ({
        %run_scoped3A = tpu.sem_alloc : memref<!tpu.dma_semaphore, #tpu.memory_space<semaphore_mem>>
        %dma_start3A_79 = arith.constant 0 : i32
        %dma_start3A_80 = tpu.memref_slice %arg8[%mul3A_46, %dma_start3A_79] : memref<202x100xi32, #tpu.memory_space<vmem>> -> memref<1x100xi32, #tpu.memory_space<vmem>>
        %dma_start3A_81 = tpu.memref_squeeze %dma_start3A_80 : memref<1x100xi32, #tpu.memory_space<vmem>> -> memref<100xi32, #tpu.memory_space<vmem>>
        %dma_start3A_82 = arith.constant 0 : i32
        %dma_start3A_83 = arith.constant 0 : i32
        %dma_start3A_84 = tpu.memref_slice %arg11[%dma_start3A_82, %dma_start3A_83] : memref<10240x64xf32, #tpu.memory_space<vmem_shared>> -> memref<10240x64xf32, #tpu.memory_space<vmem_shared>>
        tpu.enqueue_indirect_dma source(%arg9 : memref<100x64xf32, #tpu.memory_space<vmem>>) target(%dma_start3A_84 : memref<10240x64xf32, #tpu.memory_space<vmem_shared>>) offsets(%dma_start3A_81 : memref<100xi32, #tpu.memory_space<vmem>>) semaphore(%run_scoped3A : memref<!tpu.dma_semaphore, #tpu.memory_space<semaphore_mem>>) {add = true}
        %dma_wait3A_85 = arith.constant 0 : i32
        %dma_wait3A_86 = tpu.memref_slice %arg8[%mul3A_46, %dma_wait3A_85] : memref<202x100xi32, #tpu.memory_space<vmem>> -> memref<1x100xi32, #tpu.memory_space<vmem>>
        %dma_wait3A_87 = tpu.memref_squeeze %dma_wait3A_86 : memref<1x100xi32, #tpu.memory_space<vmem>> -> memref<100xi32, #tpu.memory_space<vmem>>
        %dma_wait3A_88 = arith.constant 0 : i32
        %dma_wait3A_89 = arith.constant 0 : i32
        %dma_wait3A_90 = tpu.memref_slice %arg11[%dma_wait3A_88, %dma_wait3A_89] : memref<10240x64xf32, #tpu.memory_space<vmem_shared>> -> memref<10240x64xf32, #tpu.memory_space<vmem_shared>>
        tpu.wait_indirect_dma semaphore(%run_scoped3A : memref<!tpu.dma_semaphore, #tpu.memory_space<semaphore_mem>>) src(%arg9 : memref<100x64xf32, #tpu.memory_space<vmem>>) dst(%dma_wait3A_90 : memref<10240x64xf32, #tpu.memory_space<vmem_shared>>)
        tpu.yield
      }) : () -> ()
      %add3A_53 = arith.constant 2 : i32
      %add3A_54 = arith.addi %mul3A_46, %add3A_53 : i32
      %dma_start3A_55 = arith.constant 0 : i32
      %dma_start3A_56 = tpu.memref_slice %arg7[%add3A_54, %dma_start3A_55] : memref<202x100xi32, #tpu.memory_space<vmem>> -> memref<1x100xi32, #tpu.memory_space<vmem>>
      %dma_start3A_57 = tpu.memref_squeeze %dma_start3A_56 : memref<1x100xi32, #tpu.memory_space<vmem>> -> memref<100xi32, #tpu.memory_space<vmem>>
      %dma_start3A_58 = arith.constant 0 : i32
      %dma_start3A_59 = arith.constant 0 : i32
      %dma_start3A_60 = tpu.memref_slice %arg4[%dma_start3A_58, %dma_start3A_59] : memref<20000x64xf32, #tpu.memory_space<hbm>> -> memref<20000x64xf32, #tpu.memory_space<hbm>>
      tpu.enqueue_indirect_dma source(%dma_start3A_60 : memref<20000x64xf32, #tpu.memory_space<hbm>>) target(%arg9 : memref<100x64xf32, #tpu.memory_space<vmem>>) offsets(%dma_start3A_57 : memref<100xi32, #tpu.memory_space<vmem>>) semaphore(%arg12 : memref<!tpu.dma_semaphore, #tpu.memory_space<semaphore_mem>>)
      %add3A_61 = arith.constant 1 : i32
      %add3A_62 = arith.addi %mul3A_46, %add3A_61 : i32
      %dma_wait3A_63 = arith.constant 0 : i32
      %dma_wait3A_64 = tpu.memref_slice %arg7[%add3A_62, %dma_wait3A_63] : memref<202x100xi32, #tpu.memory_space<vmem>> -> memref<1x100xi32, #tpu.memory_space<vmem>>
      %dma_wait3A_65 = tpu.memref_squeeze %dma_wait3A_64 : memref<1x100xi32, #tpu.memory_space<vmem>> -> memref<100xi32, #tpu.memory_space<vmem>>
      %dma_wait3A_66 = arith.constant 0 : i32
      %dma_wait3A_67 = arith.constant 0 : i32
      %dma_wait3A_68 = tpu.memref_slice %arg4[%dma_wait3A_66, %dma_wait3A_67] : memref<20000x64xf32, #tpu.memory_space<hbm>> -> memref<20000x64xf32, #tpu.memory_space<hbm>>
      tpu.wait_indirect_dma semaphore(%arg13 : memref<!tpu.dma_semaphore, #tpu.memory_space<semaphore_mem>>) src(%dma_wait3A_68 : memref<20000x64xf32, #tpu.memory_space<hbm>>) dst(%arg10 : memref<100x64xf32, #tpu.memory_space<vmem>>)
      %add3A_69 = arith.constant 1 : i32
      %add3A_70 = arith.addi %mul3A_46, %add3A_69 : i32
      "tpu.region"() ({
        %run_scoped3A = tpu.sem_alloc : memref<!tpu.dma_semaphore, #tpu.memory_space<semaphore_mem>>
        %dma_start3A_79 = arith.constant 0 : i32
        %dma_start3A_80 = tpu.memref_slice %arg8[%add3A_70, %dma_start3A_79] : memref<202x100xi32, #tpu.memory_space<vmem>> -> memref<1x100xi32, #tpu.memory_space<vmem>>
        %dma_start3A_81 = tpu.memref_squeeze %dma_start3A_80 : memref<1x100xi32, #tpu.memory_space<vmem>> -> memref<100xi32, #tpu.memory_space<vmem>>
        %dma_start3A_82 = arith.constant 0 : i32
        %dma_start3A_83 = arith.constant 0 : i32
        %dma_start3A_84 = tpu.memref_slice %arg11[%dma_start3A_82, %dma_start3A_83] : memref<10240x64xf32, #tpu.memory_space<vmem_shared>> -> memref<10240x64xf32, #tpu.memory_space<vmem_shared>>
        tpu.enqueue_indirect_dma source(%arg10 : memref<100x64xf32, #tpu.memory_space<vmem>>) target(%dma_start3A_84 : memref<10240x64xf32, #tpu.memory_space<vmem_shared>>) offsets(%dma_start3A_81 : memref<100xi32, #tpu.memory_space<vmem>>) semaphore(%run_scoped3A : memref<!tpu.dma_semaphore, #tpu.memory_space<semaphore_mem>>) {add = true}
        %dma_wait3A_85 = arith.constant 0 : i32
        %dma_wait3A_86 = tpu.memref_slice %arg8[%add3A_70, %dma_wait3A_85] : memref<202x100xi32, #tpu.memory_space<vmem>> -> memref<1x100xi32, #tpu.memory_space<vmem>>
        %dma_wait3A_87 = tpu.memref_squeeze %dma_wait3A_86 : memref<1x100xi32, #tpu.memory_space<vmem>> -> memref<100xi32, #tpu.memory_space<vmem>>
        %dma_wait3A_88 = arith.constant 0 : i32
        %dma_wait3A_89 = arith.constant 0 : i32
        %dma_wait3A_90 = tpu.memref_slice %arg11[%dma_wait3A_88, %dma_wait3A_89] : memref<10240x64xf32, #tpu.memory_space<vmem_shared>> -> memref<10240x64xf32, #tpu.memory_space<vmem_shared>>
        tpu.wait_indirect_dma semaphore(%run_scoped3A : memref<!tpu.dma_semaphore, #tpu.memory_space<semaphore_mem>>) src(%arg10 : memref<100x64xf32, #tpu.memory_space<vmem>>) dst(%dma_wait3A_90 : memref<10240x64xf32, #tpu.memory_space<vmem_shared>>)
        tpu.yield
      }) : () -> ()
      %add3A_71 = arith.constant 3 : i32
      %add3A_72 = arith.addi %mul3A_46, %add3A_71 : i32
      %dma_start3A_73 = arith.constant 0 : i32
      %dma_start3A_74 = tpu.memref_slice %arg7[%add3A_72, %dma_start3A_73] : memref<202x100xi32, #tpu.memory_space<vmem>> -> memref<1x100xi32, #tpu.memory_space<vmem>>
      %dma_start3A_75 = tpu.memref_squeeze %dma_start3A_74 : memref<1x100xi32, #tpu.memory_space<vmem>> -> memref<100xi32, #tpu.memory_space<vmem>>
      %dma_start3A_76 = arith.constant 0 : i32
      %dma_start3A_77 = arith.constant 0 : i32
      %dma_start3A_78 = tpu.memref_slice %arg4[%dma_start3A_76, %dma_start3A_77] : memref<20000x64xf32, #tpu.memory_space<hbm>> -> memref<20000x64xf32, #tpu.memory_space<hbm>>
      tpu.enqueue_indirect_dma source(%dma_start3A_78 : memref<20000x64xf32, #tpu.memory_space<hbm>>) target(%arg10 : memref<100x64xf32, #tpu.memory_space<vmem>>) offsets(%dma_start3A_75 : memref<100xi32, #tpu.memory_space<vmem>>) semaphore(%arg13 : memref<!tpu.dma_semaphore, #tpu.memory_space<semaphore_mem>>)
    }
    %scan3A_22 = arith.constant 100 : i32
    %dma_wait3A = arith.constant 0 : i32
    %dma_wait3A_23 = arith.constant 0 : i32
    %dma_wait3A_24 = tpu.memref_slice %arg7[%dma_wait3A, %dma_wait3A_23] : memref<202x100xi32, #tpu.memory_space<vmem>> -> memref<1x100xi32, #tpu.memory_space<vmem>>
    %dma_wait3A_25 = tpu.memref_squeeze %dma_wait3A_24 : memref<1x100xi32, #tpu.memory_space<vmem>> -> memref<100xi32, #tpu.memory_space<vmem>>
    %dma_wait3A_26 = arith.constant 0 : i32
    %dma_wait3A_27 = arith.constant 0 : i32
    %dma_wait3A_28 = tpu.memref_slice %arg4[%dma_wait3A_26, %dma_wait3A_27] : memref<20000x64xf32, #tpu.memory_space<hbm>> -> memref<20000x64xf32, #tpu.memory_space<hbm>>
    tpu.wait_indirect_dma semaphore(%arg12 : memref<!tpu.dma_semaphore, #tpu.memory_space<semaphore_mem>>) src(%dma_wait3A_28 : memref<20000x64xf32, #tpu.memory_space<hbm>>) dst(%arg9 : memref<100x64xf32, #tpu.memory_space<vmem>>)
    %dma_wait3A_29 = arith.constant 1 : i32
    %dma_wait3A_30 = arith.constant 0 : i32
    %dma_wait3A_31 = tpu.memref_slice %arg7[%dma_wait3A_29, %dma_wait3A_30] : memref<202x100xi32, #tpu.memory_space<vmem>> -> memref<1x100xi32, #tpu.memory_space<vmem>>
    %dma_wait3A_32 = tpu.memref_squeeze %dma_wait3A_31 : memref<1x100xi32, #tpu.memory_space<vmem>> -> memref<100xi32, #tpu.memory_space<vmem>>
    %dma_wait3A_33 = arith.constant 0 : i32
    %dma_wait3A_34 = arith.constant 0 : i32
    %dma_wait3A_35 = tpu.memref_slice %arg4[%dma_wait3A_33, %dma_wait3A_34] : memref<20000x64xf32, #tpu.memory_space<hbm>> -> memref<20000x64xf32, #tpu.memory_space<hbm>>
    tpu.wait_indirect_dma semaphore(%arg13 : memref<!tpu.dma_semaphore, #tpu.memory_space<semaphore_mem>>) src(%dma_wait3A_35 : memref<20000x64xf32, #tpu.memory_space<hbm>>) dst(%arg10 : memref<100x64xf32, #tpu.memory_space<vmem>>)
    %barrier3A_36 = arith.constant 0 : index
    tpu.barrier barrier_id(%barrier3A_36)
    %mul3A_37 = arith.constant 640 : i32
    %mul3A_38 = arith.muli %arg1, %mul3A_37 : i32
    %mul3A_39 = arith.constant 10240 : i32
    %mul3A_40 = arith.muli %arg0, %mul3A_39 : i32
    %mul3A_41 = arith.constant 640 : i32
    %mul3A_42 = arith.muli %arg1, %mul3A_41 : i32
    %add3A_43 = arith.addi %mul3A_40, %mul3A_42 : i32
    "tpu.region"() ({
      %run_scoped3A = tpu.sem_alloc : memref<!tpu.dma_semaphore, #tpu.memory_space<semaphore_mem>>
      %dma_start3A_44 = arith.constant 0 : i32
      %dma_start3A_45 = tpu.memref_slice %arg6[%add3A_43, %dma_start3A_44] : memref<20480x64xf32, #tpu.memory_space<hbm>> -> memref<640x64xf32, #tpu.memory_space<hbm>>
      %dma_start3A_46 = arith.constant 0 : i32
      %dma_start3A_47 = tpu.memref_slice %arg11[%mul3A_38, %dma_start3A_46] : memref<10240x64xf32, #tpu.memory_space<vmem_shared>> -> memref<640x64xf32, #tpu.memory_space<vmem_shared>>
      tpu.enqueue_dma source(%dma_start3A_47 : memref<640x64xf32, #tpu.memory_space<vmem_shared>>) target(%dma_start3A_45 : memref<640x64xf32, #tpu.memory_space<hbm>>) target_semaphore(%run_scoped3A : memref<!tpu.dma_semaphore, #tpu.memory_space<semaphore_mem>>)
      %dma_wait3A_48 = arith.constant 0 : i32
      %dma_wait3A_49 = tpu.memref_slice %arg6[%add3A_43, %dma_wait3A_48] : memref<20480x64xf32, #tpu.memory_space<hbm>> -> memref<640x64xf32, #tpu.memory_space<hbm>>
      %dma_wait3A_50 = arith.constant 0 : i32
      %dma_wait3A_51 = tpu.memref_slice %arg11[%mul3A_38, %dma_wait3A_50] : memref<10240x64xf32, #tpu.memory_space<vmem_shared>> -> memref<640x64xf32, #tpu.memory_space<vmem_shared>>
      tpu.wait_dma2 semaphore(%run_scoped3A : memref<!tpu.dma_semaphore, #tpu.memory_space<semaphore_mem>>) src(%dma_wait3A_51 : memref<640x64xf32, #tpu.memory_space<vmem_shared>>) dst(%dma_wait3A_49 : memref<640x64xf32, #tpu.memory_space<hbm>>)
      tpu.yield
    }) : () -> ()
    return
  }
}

module attributes {stable_mosaic.version = 14 : i64} {
  func.func @_prep_tc(%arg0: i32, %arg1: memref<2000x128xf32, #tpu.memory_space<vmem>>, %arg2: memref<128x128xf32, #tpu.memory_space<vmem>>, %arg3: memref<2000x16xf32, #tpu.memory_space<vmem>>, %arg4: memref<2x2000x64xf32, #tpu.memory_space<vmem>>) attributes {dimension_semantics = [#tpu.dimension_semantics<arbitrary>], iteration_bounds = array<i64: 5>, scalar_prefetch = 0 : i64, scratch_operands = 0 : i64, tpu.core_type = #tpu.core_type<tc>, window_params = [{transform_indices = @transform_0, window_bounds = array<i64: 2000, 128>}, {pipeline_mode = #tpu.pipeline_mode<synchronous>, transform_indices = @transform_1, window_bounds = array<i64: 128, 128>}, {transform_indices = @transform_2, window_bounds = array<i64: 2000, 16>}, {transform_indices = @transform_3, window_bounds = array<i64: 2, 2000, 64>}]} {
    %get3A = arith.constant 0 : index
    %get3A_0 = arith.constant 0 : index
    %get3A_1 = vector.load %arg3[%get3A, %get3A_0] : memref<2000x16xf32, #tpu.memory_space<vmem>>, vector<2000x16xf32>
    %slice3A = vector.extract_strided_slice %get3A_1 {offsets = [0, 0], sizes = [2000, 1], strides = [1, 1]} : vector<2000x16xf32> to vector<2000x1xf32>
    %add3A = arith.constant 1.000000e+00 : f32
    %add3A_2 = vector.broadcast %add3A : f32 to vector<2000x1xf32>
    %add3A_3 = arith.addf %slice3A, %add3A_2 : vector<2000x1xf32>
    %rsqrt3A = math.rsqrt %add3A_3 : vector<2000x1xf32>
    %get3A_4 = arith.constant 0 : index
    %get3A_5 = arith.constant 0 : index
    %get3A_6 = vector.load %arg1[%get3A_4, %get3A_5] : memref<2000x128xf32, #tpu.memory_space<vmem>>, vector<2000x128xf32>
    %get3A_7 = arith.constant 0 : index
    %get3A_8 = arith.constant 0 : index
    %get3A_9 = vector.load %arg2[%get3A_7, %get3A_8] : memref<128x128xf32, #tpu.memory_space<vmem>>, vector<128x128xf32>
    %dot_general3A = arith.constant dense<0.000000e+00> : vector<2000x128xf32>
    %dot_general3A_10 = tpu.matmul %get3A_6, %get3A_9, %dot_general3A {dimension_numbers = #tpu.dot_dimension_numbers<[1], [0], [0], [1], [0, 0, 1, 1], [], []>, transpose_lhs_hint = false} : vector<2000x128xf32>, vector<128x128xf32>, vector<2000x128xf32> -> vector<2000x128xf32>
    %mul3A = vector.broadcast %rsqrt3A : vector<2000x1xf32> to vector<2000x128xf32>
    %mul3A_11 = arith.mulf %mul3A, %dot_general3A_10 : vector<2000x128xf32>
    %slice3A_12 = vector.extract_strided_slice %mul3A_11 {offsets = [0, 0], sizes = [2000, 64], strides = [1, 1]} : vector<2000x128xf32> to vector<2000x64xf32>
    %swap3A = arith.constant 0 : index
    %swap3A_13 = arith.constant 0 : index
    %swap3A_14 = arith.constant 0 : index
    %swap3A_15 = vector.load %arg4[%swap3A, %swap3A_13, %swap3A_14] : memref<2x2000x64xf32, #tpu.memory_space<vmem>>, vector<1x2000x64xf32>
    %swap3A_16 = vector.shape_cast %swap3A_15 : vector<1x2000x64xf32> to vector<2000x64xf32>
    %swap3A_17 = vector.shape_cast %slice3A_12 : vector<2000x64xf32> to vector<1x2000x64xf32>
    tpu.vector_store %arg4[%swap3A, %swap3A_13, %swap3A_14], %swap3A_17 {strides = array<i32>} : memref<2x2000x64xf32, #tpu.memory_space<vmem>>, vector<1x2000x64xf32>,
    %slice3A_18 = vector.extract_strided_slice %mul3A_11 {offsets = [0, 64], sizes = [2000, 64], strides = [1, 1]} : vector<2000x128xf32> to vector<2000x64xf32>
    %swap3A_19 = arith.constant 1 : index
    %swap3A_20 = arith.constant 0 : index
    %swap3A_21 = arith.constant 0 : index
    %swap3A_22 = vector.load %arg4[%swap3A_19, %swap3A_20, %swap3A_21] : memref<2x2000x64xf32, #tpu.memory_space<vmem>>, vector<1x2000x64xf32>
    %swap3A_23 = vector.shape_cast %swap3A_22 : vector<1x2000x64xf32> to vector<2000x64xf32>
    %swap3A_24 = vector.shape_cast %slice3A_18 : vector<2000x64xf32> to vector<1x2000x64xf32>
    tpu.vector_store %arg4[%swap3A_19, %swap3A_20, %swap3A_21], %swap3A_24 {strides = array<i32>} : memref<2x2000x64xf32, #tpu.memory_space<vmem>>, vector<1x2000x64xf32>,
    return
  }
  func.func @transform_0(%arg0: i32) -> (i32, i32) {
    %c0_i32 = arith.constant 0 : i32
    %c0_i32_0 = arith.constant 0 : i32
    return %arg0, %c0_i32 : i32, i32
  }
  func.func @transform_1(%arg0: i32) -> (i32, i32) {
    %c0_i32 = arith.constant 0 : i32
    %c0_i32_0 = arith.constant 0 : i32
    %c0_i32_1 = arith.constant 0 : i32
    return %c0_i32, %c0_i32_0 : i32, i32
  }
  func.func @transform_2(%arg0: i32) -> (i32, i32) {
    %c0_i32 = arith.constant 0 : i32
    %c0_i32_0 = arith.constant 0 : i32
    return %arg0, %c0_i32 : i32, i32
  }
  func.func @transform_3(%arg0: i32) -> (i32, i32, i32) {
    %c0_i32 = arith.constant 0 : i32
    %c0_i32_0 = arith.constant 0 : i32
    %c0_i32_1 = arith.constant 0 : i32
    return %c0_i32, %arg0, %c0_i32_0 : i32, i32, i32
  }
}

module attributes {stable_mosaic.version = 14 : i64} {
  func.func @_mid_tc(%arg0: i32, %arg1: memref<2000x64xf32, #tpu.memory_space<vmem>>, %arg2: memref<2000x64xf32, #tpu.memory_space<vmem>>, %arg3: memref<2x2000x64xf32, #tpu.memory_space<vmem>>, %arg4: memref<2000x16xf32, #tpu.memory_space<vmem>>, %arg5: memref<1x128xf32, #tpu.memory_space<vmem>>, %arg6: memref<128x128xf32, #tpu.memory_space<vmem>>, %arg7: memref<2x2000x64xf32, #tpu.memory_space<vmem>>) attributes {dimension_semantics = [#tpu.dimension_semantics<arbitrary>], iteration_bounds = array<i64: 5>, scalar_prefetch = 0 : i64, scratch_operands = 0 : i64, tpu.core_type = #tpu.core_type<tc>, window_params = [{transform_indices = @transform_0, window_bounds = array<i64: 2000, 64>}, {transform_indices = @transform_1, window_bounds = array<i64: 2000, 64>}, {transform_indices = @transform_2, window_bounds = array<i64: 2, 2000, 64>}, {transform_indices = @transform_3, window_bounds = array<i64: 2000, 16>}, {pipeline_mode = #tpu.pipeline_mode<synchronous>, transform_indices = @transform_4, window_bounds = array<i64: 1, 128>}, {pipeline_mode = #tpu.pipeline_mode<synchronous>, transform_indices = @transform_5, window_bounds = array<i64: 128, 128>}, {transform_indices = @transform_6, window_bounds = array<i64: 2, 2000, 64>}]} {
    %get3A = arith.constant 0 : index
    %get3A_0 = arith.constant 0 : index
    %get3A_1 = vector.load %arg4[%get3A, %get3A_0] : memref<2000x16xf32, #tpu.memory_space<vmem>>, vector<2000x16xf32>
    %slice3A = vector.extract_strided_slice %get3A_1 {offsets = [0, 0], sizes = [2000, 1], strides = [1, 1]} : vector<2000x16xf32> to vector<2000x1xf32>
    %add3A = arith.constant 1.000000e+00 : f32
    %add3A_2 = vector.broadcast %add3A : f32 to vector<2000x1xf32>
    %add3A_3 = arith.addf %slice3A, %add3A_2 : vector<2000x1xf32>
    %rsqrt3A = math.rsqrt %add3A_3 : vector<2000x1xf32>
    %get3A_4 = arith.constant 0 : index
    %get3A_5 = arith.constant 0 : index
    %get3A_6 = vector.load %arg1[%get3A_4, %get3A_5] : memref<2000x64xf32, #tpu.memory_space<vmem>>, vector<2000x64xf32>
    %get3A_7 = arith.constant 0 : index
    %get3A_8 = arith.constant 0 : index
    %get3A_9 = vector.load %arg2[%get3A_7, %get3A_8] : memref<2000x64xf32, #tpu.memory_space<vmem>>, vector<2000x64xf32>
    %concatenate3A = tpu.concatenate %get3A_6, %get3A_9 in 1 : vector<2000x64xf32>, vector<2000x64xf32> -> vector<2000x128xf32>
    %get3A_10 = arith.constant 0 : index
    %get3A_11 = arith.constant 0 : index
    %get3A_12 = arith.constant 0 : index
    %get3A_13 = vector.load %arg3[%get3A_10, %get3A_11, %get3A_12] : memref<2x2000x64xf32, #tpu.memory_space<vmem>>, vector<1x2000x64xf32>
    %get3A_14 = vector.shape_cast %get3A_13 : vector<1x2000x64xf32> to vector<2000x64xf32>
    %get3A_15 = arith.constant 1 : index
    %get3A_16 = arith.constant 0 : index
    %get3A_17 = arith.constant 0 : index
    %get3A_18 = vector.load %arg3[%get3A_15, %get3A_16, %get3A_17] : memref<2x2000x64xf32, #tpu.memory_space<vmem>>, vector<1x2000x64xf32>
    %get3A_19 = vector.shape_cast %get3A_18 : vector<1x2000x64xf32> to vector<2000x64xf32>
    %concatenate3A_20 = tpu.concatenate %get3A_14, %get3A_19 in 1 : vector<2000x64xf32>, vector<2000x64xf32> -> vector<2000x128xf32>
    %add3A_21 = arith.addf %concatenate3A, %concatenate3A_20 : vector<2000x128xf32>
    %mul3A = vector.broadcast %rsqrt3A : vector<2000x1xf32> to vector<2000x128xf32>
    %mul3A_22 = arith.mulf %mul3A, %add3A_21 : vector<2000x128xf32>
    %get3A_23 = arith.constant 0 : index
    %get3A_24 = arith.constant 0 : index
    %get3A_25 = vector.load %arg5[%get3A_23, %get3A_24] : memref<1x128xf32, #tpu.memory_space<vmem>>, vector<1x128xf32>
    %add3A_26 = vector.broadcast %get3A_25 : vector<1x128xf32> to vector<2000x128xf32>
    %add3A_27 = arith.addf %mul3A_22, %add3A_26 : vector<2000x128xf32>
    %max3A = arith.constant 0.000000e+00 : f32
    %max3A_28 = vector.broadcast %max3A : f32 to vector<2000x128xf32>
    %max3A_29 = arith.maximumf %add3A_27, %max3A_28 : vector<2000x128xf32>
    %get3A_30 = arith.constant 0 : index
    %get3A_31 = arith.constant 0 : index
    %get3A_32 = vector.load %arg6[%get3A_30, %get3A_31] : memref<128x128xf32, #tpu.memory_space<vmem>>, vector<128x128xf32>
    %dot_general3A = arith.constant dense<0.000000e+00> : vector<2000x128xf32>
    %dot_general3A_33 = tpu.matmul %max3A_29, %get3A_32, %dot_general3A {dimension_numbers = #tpu.dot_dimension_numbers<[1], [0], [0], [1], [0, 0, 1, 1], [], []>, transpose_lhs_hint = false} : vector<2000x128xf32>, vector<128x128xf32>, vector<2000x128xf32> -> vector<2000x128xf32>
    %mul3A_34 = vector.broadcast %rsqrt3A : vector<2000x1xf32> to vector<2000x128xf32>
    %mul3A_35 = arith.mulf %mul3A_34, %dot_general3A_33 : vector<2000x128xf32>
    %slice3A_36 = vector.extract_strided_slice %mul3A_35 {offsets = [0, 0], sizes = [2000, 64], strides = [1, 1]} : vector<2000x128xf32> to vector<2000x64xf32>
    %swap3A = arith.constant 0 : index
    %swap3A_37 = arith.constant 0 : index
    %swap3A_38 = arith.constant 0 : index
    %swap3A_39 = vector.load %arg7[%swap3A, %swap3A_37, %swap3A_38] : memref<2x2000x64xf32, #tpu.memory_space<vmem>>, vector<1x2000x64xf32>
    %swap3A_40 = vector.shape_cast %swap3A_39 : vector<1x2000x64xf32> to vector<2000x64xf32>
    %swap3A_41 = vector.shape_cast %slice3A_36 : vector<2000x64xf32> to vector<1x2000x64xf32>
    tpu.vector_store %arg7[%swap3A, %swap3A_37, %swap3A_38], %swap3A_41 {strides = array<i32>} : memref<2x2000x64xf32, #tpu.memory_space<vmem>>, vector<1x2000x64xf32>,
    %slice3A_42 = vector.extract_strided_slice %mul3A_35 {offsets = [0, 64], sizes = [2000, 64], strides = [1, 1]} : vector<2000x128xf32> to vector<2000x64xf32>
    %swap3A_43 = arith.constant 1 : index
    %swap3A_44 = arith.constant 0 : index
    %swap3A_45 = arith.constant 0 : index
    %swap3A_46 = vector.load %arg7[%swap3A_43, %swap3A_44, %swap3A_45] : memref<2x2000x64xf32, #tpu.memory_space<vmem>>, vector<1x2000x64xf32>
    %swap3A_47 = vector.shape_cast %swap3A_46 : vector<1x2000x64xf32> to vector<2000x64xf32>
    %swap3A_48 = vector.shape_cast %slice3A_42 : vector<2000x64xf32> to vector<1x2000x64xf32>
    tpu.vector_store %arg7[%swap3A_43, %swap3A_44, %swap3A_45], %swap3A_48 {strides = array<i32>} : memref<2x2000x64xf32, #tpu.memory_space<vmem>>, vector<1x2000x64xf32>,
    return
  }
  func.func @transform_0(%arg0: i32) -> (i32, i32) {
    %c0_i32 = arith.constant 0 : i32
    %c0_i32_0 = arith.constant 0 : i32
    return %arg0, %c0_i32 : i32, i32
  }
  func.func @transform_1(%arg0: i32) -> (i32, i32) {
    %c0_i32 = arith.constant 0 : i32
    %c0_i32_0 = arith.constant 0 : i32
    return %arg0, %c0_i32 : i32, i32
  }
  func.func @transform_2(%arg0: i32) -> (i32, i32, i32) {
    %c0_i32 = arith.constant 0 : i32
    %c0_i32_0 = arith.constant 0 : i32
    %c0_i32_1 = arith.constant 0 : i32
    return %c0_i32, %arg0, %c0_i32_0 : i32, i32, i32
  }
  func.func @transform_3(%arg0: i32) -> (i32, i32) {
    %c0_i32 = arith.constant 0 : i32
    %c0_i32_0 = arith.constant 0 : i32
    return %arg0, %c0_i32 : i32, i32
  }
  func.func @transform_4(%arg0: i32) -> (i32, i32) {
    %c0_i32 = arith.constant 0 : i32
    %c0_i32_0 = arith.constant 0 : i32
    %c0_i32_1 = arith.constant 0 : i32
    return %c0_i32, %c0_i32_0 : i32, i32
  }
  func.func @transform_5(%arg0: i32) -> (i32, i32) {
    %c0_i32 = arith.constant 0 : i32
    %c0_i32_0 = arith.constant 0 : i32
    %c0_i32_1 = arith.constant 0 : i32
    return %c0_i32, %c0_i32_0 : i32, i32
  }
  func.func @transform_6(%arg0: i32) -> (i32, i32, i32) {
    %c0_i32 = arith.constant 0 : i32
    %c0_i32_0 = arith.constant 0 : i32
    %c0_i32_1 = arith.constant 0 : i32
    return %c0_i32, %arg0, %c0_i32_0 : i32, i32, i32
  }
}

module attributes {stable_mosaic.version = 14 : i64} {
  func.func @_out_tc(%arg0: i32, %arg1: memref<2000x64xf32, #tpu.memory_space<vmem>>, %arg2: memref<2000x64xf32, #tpu.memory_space<vmem>>, %arg3: memref<2x2000x64xf32, #tpu.memory_space<vmem>>, %arg4: memref<2000x16xf32, #tpu.memory_space<vmem>>, %arg5: memref<1x128xf32, #tpu.memory_space<vmem>>, %arg6: memref<2000x128xf32, #tpu.memory_space<vmem>>) attributes {dimension_semantics = [#tpu.dimension_semantics<arbitrary>], iteration_bounds = array<i64: 5>, scalar_prefetch = 0 : i64, scratch_operands = 0 : i64, tpu.core_type = #tpu.core_type<tc>, window_params = [{transform_indices = @transform_0, window_bounds = array<i64: 2000, 64>}, {transform_indices = @transform_1, window_bounds = array<i64: 2000, 64>}, {transform_indices = @transform_2, window_bounds = array<i64: 2, 2000, 64>}, {transform_indices = @transform_3, window_bounds = array<i64: 2000, 16>}, {pipeline_mode = #tpu.pipeline_mode<synchronous>, transform_indices = @transform_4, window_bounds = array<i64: 1, 128>}, {transform_indices = @transform_5, window_bounds = array<i64: 2000, 128>}]} {
    %get3A = arith.constant 0 : index
    %get3A_0 = arith.constant 0 : index
    %get3A_1 = vector.load %arg4[%get3A, %get3A_0] : memref<2000x16xf32, #tpu.memory_space<vmem>>, vector<2000x16xf32>
    %slice3A = vector.extract_strided_slice %get3A_1 {offsets = [0, 0], sizes = [2000, 1], strides = [1, 1]} : vector<2000x16xf32> to vector<2000x1xf32>
    %add3A = arith.constant 1.000000e+00 : f32
    %add3A_2 = vector.broadcast %add3A : f32 to vector<2000x1xf32>
    %add3A_3 = arith.addf %slice3A, %add3A_2 : vector<2000x1xf32>
    %rsqrt3A = math.rsqrt %add3A_3 : vector<2000x1xf32>
    %get3A_4 = arith.constant 0 : index
    %get3A_5 = arith.constant 0 : index
    %get3A_6 = vector.load %arg1[%get3A_4, %get3A_5] : memref<2000x64xf32, #tpu.memory_space<vmem>>, vector<2000x64xf32>
    %get3A_7 = arith.constant 0 : index
    %get3A_8 = arith.constant 0 : index
    %get3A_9 = vector.load %arg2[%get3A_7, %get3A_8] : memref<2000x64xf32, #tpu.memory_space<vmem>>, vector<2000x64xf32>
    %concatenate3A = tpu.concatenate %get3A_6, %get3A_9 in 1 : vector<2000x64xf32>, vector<2000x64xf32> -> vector<2000x128xf32>
    %get3A_10 = arith.constant 0 : index
    %get3A_11 = arith.constant 0 : index
    %get3A_12 = arith.constant 0 : index
    %get3A_13 = vector.load %arg3[%get3A_10, %get3A_11, %get3A_12] : memref<2x2000x64xf32, #tpu.memory_space<vmem>>, vector<1x2000x64xf32>
    %get3A_14 = vector.shape_cast %get3A_13 : vector<1x2000x64xf32> to vector<2000x64xf32>
    %get3A_15 = arith.constant 1 : index
    %get3A_16 = arith.constant 0 : index
    %get3A_17 = arith.constant 0 : index
    %get3A_18 = vector.load %arg3[%get3A_15, %get3A_16, %get3A_17] : memref<2x2000x64xf32, #tpu.memory_space<vmem>>, vector<1x2000x64xf32>
    %get3A_19 = vector.shape_cast %get3A_18 : vector<1x2000x64xf32> to vector<2000x64xf32>
    %concatenate3A_20 = tpu.concatenate %get3A_14, %get3A_19 in 1 : vector<2000x64xf32>, vector<2000x64xf32> -> vector<2000x128xf32>
    %add3A_21 = arith.addf %concatenate3A, %concatenate3A_20 : vector<2000x128xf32>
    %mul3A = vector.broadcast %rsqrt3A : vector<2000x1xf32> to vector<2000x128xf32>
    %mul3A_22 = arith.mulf %mul3A, %add3A_21 : vector<2000x128xf32>
    %get3A_23 = arith.constant 0 : index
    %get3A_24 = arith.constant 0 : index
    %get3A_25 = vector.load %arg5[%get3A_23, %get3A_24] : memref<1x128xf32, #tpu.memory_space<vmem>>, vector<1x128xf32>
    %add3A_26 = vector.broadcast %get3A_25 : vector<1x128xf32> to vector<2000x128xf32>
    %add3A_27 = arith.addf %mul3A_22, %add3A_26 : vector<2000x128xf32>
    %max3A = arith.constant 0.000000e+00 : f32
    %max3A_28 = vector.broadcast %max3A : f32 to vector<2000x128xf32>
    %max3A_29 = arith.maximumf %add3A_27, %max3A_28 : vector<2000x128xf32>
    %swap3A = arith.constant 0 : index
    %swap3A_30 = arith.constant 0 : index
    %swap3A_31 = vector.load %arg6[%swap3A, %swap3A_30] : memref<2000x128xf32, #tpu.memory_space<vmem>>, vector<2000x128xf32>
    tpu.vector_store %arg6[%swap3A, %swap3A_30], %max3A_29 {strides = array<i32>} : memref<2000x128xf32, #tpu.memory_space<vmem>>, vector<2000x128xf32>,
    return
  }
  func.func @transform_0(%arg0: i32) -> (i32, i32) {
    %c0_i32 = arith.constant 0 : i32
    %c0_i32_0 = arith.constant 0 : i32
    return %arg0, %c0_i32 : i32, i32
  }
  func.func @transform_1(%arg0: i32) -> (i32, i32) {
    %c0_i32 = arith.constant 0 : i32
    %c0_i32_0 = arith.constant 0 : i32
    return %arg0, %c0_i32 : i32, i32
  }
  func.func @transform_2(%arg0: i32) -> (i32, i32, i32) {
    %c0_i32 = arith.constant 0 : i32
    %c0_i32_0 = arith.constant 0 : i32
    %c0_i32_1 = arith.constant 0 : i32
    return %c0_i32, %arg0, %c0_i32_0 : i32, i32, i32
  }
  func.func @transform_3(%arg0: i32) -> (i32, i32) {
    %c0_i32 = arith.constant 0 : i32
    %c0_i32_0 = arith.constant 0 : i32
    return %arg0, %c0_i32 : i32, i32
  }
  func.func @transform_4(%arg0: i32) -> (i32, i32) {
    %c0_i32 = arith.constant 0 : i32
    %c0_i32_0 = arith.constant 0 : i32
    %c0_i32_1 = arith.constant 0 : i32
    return %c0_i32, %c0_i32_0 : i32, i32
  }
  func.func @transform_5(%arg0: i32) -> (i32, i32) {
    %c0_i32 = arith.constant 0 : i32
    %c0_i32_0 = arith.constant 0 : i32
    return %arg0, %c0_i32 : i32, i32
  }
}

</mosaic_0001>

<sc_bundles>
// kernel: kernel.11.cloned.1.call-start
scs
__scs_entry_jumppad:
0x0: {  	(pc) =	sbr.rel $0x88, $3  }
0x1: {  	(tag) =	ssettag $0x0;
	lr =	simm.s32 $0x1  }
0x2: {  	[smem:$0x3F9B] =	sst lr;
	_ =	strace $0xD0000000  }
0x3: {  	_ = 	snop  }
0x4: {  	_ = 	snop  }
0x5: {  	_ = 	snop  }
0x6: {  	_ = 	snop  }
0x7: {  	_ = 	snop  }
__scs_overlays_trampoline_lowered:
0x8: {  	[smem:$0x3FAA] =	sst s0  }
0x9: {  	[smem:$0x3FAB] =	sst s1  }
0xa: {  	[smem:$0x3FAC] =	sst s2  }
0xb: {  	[smem:$0x3FAD] =	sst s3  }
0xc: {  	[smem:$0x3FAE] =	sst s4  }
0xd: {  	[smem:$0x3FAF] =	sst s5  }
0xe: {  	[smem:$0x3FB0] =	sst s6  }
0xf: {  	[smem:$0x3FB1] =	sst s7  }
0x10: {  	[smem:$0x3FB2] =	sst s8  }
0x11: {  	[smem:$0x3FB3] =	sst s9;
	s0 =	simm.s32 @!p0 $0x0  }
0x12: {  	s1 =	sld [smem:$0x3F99];
	s0 =	simm.s32 @p0 $0x1  }
0x13: {  	[smem:$0x3FB4] =	sst s0;
	s0 =	simm.s32 @!p1 $0x0  }
0x14: {  	s2 =	sld [smem:$0x3F98];
	s0 =	simm.s32 @p1 $0x1  }
0x15: {  	[smem:$0x3FB5] =	sst s0;
	s0 =	simm.s32 @!p2 $0x0  }
0x16: {  	s3 =	sld [smem:$0x3FDB];
	s0 =	simm.s32 @p2 $0x1  }
0x17: {  	s4 =	simm.s32 $0x1BF5;
	[smem:$0x3FB7] =	sst s0  }
0x18: {  	s0 =	sld [smem:$0x3F9A];
	_ =	swait.ge [sflag:s4], $0x0  }
0x19: {  	s7 =	sld [smem:$0x3F9B]  }
0x1a: {  	s8 =	sadd.s32 $0xFFFFE003, lr  }
0x1b: {  	s9 =	sadd.s32 $0xFFFFFEF7, lr;
	s5 =	simm.s32 $0xFFFFFFFF;
	p2 =	slt.u32 s8, $0xFFFFF086  }
0x1c: {  	p1 =	slt.u32 s9, $0xF7A;
	s5 =	simm.s32 @!p2 $0x0  }
0x1d: {  	s5 =	simm.s32 @p1 $0x1;
	p0 =	seq.s32 s7, s2  }
0x1e: {  	s7 =	smul.u32 @!p0 $0xF7A, s2;
	p2 =	seq.s32 @!p0 s5, $0x0  }
0x1f: {  	s9 =	smul.u32 $0xF7A, s1;
	s8 =	simm.s32 @!p0 $0x1BF5;
	p2 =	por !p2, p0  }
0x20: {  	[sflag:s8] =	ssyncset.s32 @!p0 $0xFFFFF086;
	s6 =	sadd.s32 @!p0 s3, s7;
	s7 =	simm.s32 @!p0 $0x108  }
0x21: {  	s3 =	sadd.s32 s3, s9;
	s6 =	sadd.s32 @!p0 $0x88, s6;
	s7 =	simm.s32 @p2 $0x1082  }
0x22: {  	[simem:s7], [sflag:s8] =	dma.local @!p0 [hbm:s6], $0xF7A  }
0x23: {  	s9 =	sor.u32 $0xD0000000, s2;
	s6 =	simm.s32 $0x108;
	_ =	swait.ge @!p0 [sflag:s8], $0x0  }
0x24: {  	s3 =	sadd.s32 $0x88, s3;
	s6 =	simm.s32 @!p1 $0x1082;
	[sflag:s4] =	ssyncset.s32 $0xFFFFF086  }
0x25: {  	[simem:s6], [sflag:s4] =	dma.local [hbm:s3], $0xF7A  }
0x26: {  	[smem:$0x3F9B] =	sst s1;
	(tag) =	ssettag s2;
	_ =	strace s9  }
0x27: {  	s1 =	sld [smem:$0x3FAB]  }
0x28: {  	s2 =	sld [smem:$0x3FAC]  }
0x29: {  	s4 =	sld [smem:$0x3FAE]  }
0x2a: {  	p0 =	seq.s32 s5, $0x0;
	s5 =	sld [smem:$0x3FAF]  }
0x2b: {  	s6 =	sld [smem:$0x3FB0]  }
0x2c: {  	s7 =	sld [smem:$0x3FB1]  }
0x2d: {  	s3 =	simm.s32 $0x108;
	s8 =	sld [smem:$0x3FB2]  }
0x2e: {  	s3 =	simm.s32 @!p0 $0x1082;
	s9 =	sld [smem:$0x3FB3]  }
0x2f: {  	lr =	sadd.s32 s0, s3;
	s0 =	sld [smem:$0x3FAA]  }
0x30: {  	s3 =	sld [smem:$0x3FAD]  }
0x31: {  	[smem:$0x3FB6] =	sst s10  }
0x32: {  	s10 =	sld [smem:$0x3FB4];
	_ =	sdelay $0x3  }
0x33: {  	p0 =	seq.s32 s10, $0x1;
	s10 =	sld [smem:$0x3FB6];
	_ =	sdelay $0x3  }
0x34: {  	[smem:$0x3FB6] =	sst s10  }
0x35: {  	s10 =	sld [smem:$0x3FB5];
	_ =	sdelay $0x3  }
0x36: {  	p1 =	seq.s32 s10, $0x1;
	s10 =	sld [smem:$0x3FB6];
	_ =	sdelay $0x3  }
0x37: {  	[smem:$0x3FB6] =	sst s10  }
0x38: {  	s10 =	sld [smem:$0x3FB7]  }
0x39: {  	_ = 	snop;
	(pc) =	sbr.ind lr, $3  }
0x3a: {  	_ = 	snop  }
0x3b: {  	_ = 	snop  }
0x3c: {  	p2 =	seq.s32 s10, $0x1;
	s10 =	sld [smem:$0x3FB6]  }
0x3d: {  	_ =	shalt  }
0x3e: {  	_ =	shalt  }
0x3f: {  	_ =	shalt  }
0x40: {  	_ =	shalt  }
0x41: {  	_ =	shalt  }
0x42: {  	_ =	shalt  }
0x43: {  	_ =	shalt  }
0x44: {  	_ =	shalt  }
0x45: {  	_ =	shalt  }
0x46: {  	_ =	shalt  }
0x47: {  	_ =	shalt  }
0x48: {  	_ =	shalt  }
0x49: {  	_ =	shalt  }
0x4a: {  	_ =	shalt  }
0x4b: {  	_ =	shalt  }
0x4c: {  	_ =	shalt  }
0x4d: {  	_ =	shalt  }
0x4e: {  	_ =	shalt  }
0x4f: {  	_ =	shalt  }
0x50: {  	_ =	shalt  }
0x51: {  	_ =	shalt  }
0x52: {  	_ =	shalt  }
0x53: {  	_ =	shalt  }
0x54: {  	_ =	shalt  }
0x55: {  	_ =	shalt  }
0x56: {  	_ =	shalt  }
0x57: {  	_ =	shalt  }
0x58: {  	_ =	shalt  }
0x59: {  	_ =	shalt  }
0x5a: {  	_ =	shalt  }
0x5b: {  	_ =	shalt  }
0x5c: {  	_ =	shalt  }
0x5d: {  	_ =	shalt  }
0x5e: {  	_ =	shalt  }
0x5f: {  	_ =	shalt  }
0x60: {  	_ =	shalt  }
0x61: {  	_ =	shalt  }
0x62: {  	_ =	shalt  }
0x63: {  	_ =	shalt  }
0x64: {  	_ =	shalt  }
0x65: {  	_ =	shalt  }
0x66: {  	_ =	shalt  }
0x67: {  	_ =	shalt  }
0x68: {  	_ =	shalt  }
0x69: {  	_ =	shalt  }
0x6a: {  	_ =	shalt  }
0x6b: {  	_ =	shalt  }
0x6c: {  	_ =	shalt  }
0x6d: {  	_ =	shalt  }
0x6e: {  	_ =	shalt  }
0x6f: {  	_ =	shalt  }
0x70: {  	_ =	shalt  }
0x71: {  	_ =	shalt  }
0x72: {  	_ =	shalt  }
0x73: {  	_ =	shalt  }
0x74: {  	_ =	shalt  }
0x75: {  	_ =	shalt  }
0x76: {  	_ =	shalt  }
0x77: {  	_ =	shalt  }
0x78: {  	_ =	shalt  }
0x79: {  	_ =	shalt  }
0x7a: {  	_ =	shalt  }
0x7b: {  	_ =	shalt  }
0x7c: {  	_ =	shalt  }
0x7d: {  	_ =	shalt  }
0x7e: {  	_ =	shalt  }
0x7f: {  	_ =	shalt  }
0x80: {  	_ =	shalt  }
0x81: {  	_ =	shalt  }
0x82: {  	_ =	shalt  }
0x83: {  	_ =	shalt  }
0x84: {  	_ =	shalt  }
0x85: {  	_ =	shalt  }
0x86: {  	_ =	shalt  }
0x87: {  	_ =	shalt  }
.Lfunc_end0:
.L_simem_size_0:
called_computation.1_lowered:
.L_overlay_start_0:
0x88: {  	s2 =	sld [smem:$0x3FD9]  }
0x89: {  	s3 =	sld [smem:$0x3FFE];
	_ =	sdelay $0x1  }
0x8a: {  	s1 =	srdreg.scid  }
0x8b: {  	s0 =	sand.u32 $0x1, s1  }
0x8c: {  	s17 =	sshll.u32 s0, $0xA;
	s2 =	sadd.s32 s3, s2  }
0x8d: {  	s2 =	sadd.s32 s2, s17  }
0x8e: {  	[smem:$0x3FC2] =	sst s2  }
0x8f: {  	_ = 	snop  }
0x90: {  	s2 =	sld [smem:$0x3FD0];
	(tm) =	ssettm $0x1  }
0x91: {  	s18 =	sld [smem:$0x3FFB];
	_ =	sdelay $0x3  }
0x92: {  	_ =	strace s18  }
0x93: {  	s3 =	sld [smem:$0x3FFC];
	_ =	sdelay $0x3  }
0x94: {  	_ =	strace s3  }
0x95: {  	s3 =	sld [smem:$0x3FFD];
	_ =	sdelay $0x3  }
0x96: {  	_ =	strace s3  }
0x97: {  	_ =	strace $0x8FFFFFFF  }
0x98: {  	s19 =	sld [smem:$0x3FDB];
	_ =	sdelay $0x1  }
0x99: {  	s4 =	simm.s32 $_scs_section_size  }
0x9a: {  	s5 =	simm.s32 $_size__tile_overlayer_lowered;
	s6 =	simm.s32 $_tile_overlayer_lowered  }
0x9b: {  	s22 =	simm.s32 $0x1BFF;
	s21 =	sshll.u32 s6, $0x1;
	s3 =	sadd.s32 s4, s19  }
0x9c: {  	s7 =	simm.s32 $0x0;
	s20 =	sshll.u32 s5, $0x1;
	s5 =	sadd.s32 s21, s3  }
0x9d: {  	[timem:s7], [sflag:s22] =	dma.local [hbm:s5], s20  }
0x9e: {  	_ =	swait.ge [sflag:s22], s20  }
0x9f: {  	s4 =	ssub.s32 $0x0, s20;
	[sflag:s22] =	ssyncset.done $0x0  }
0xa0: {  	[sflag:s22] =	ssyncadd.s32 s4;
	_ =	sdelay $0x1  }
0xa1: {  	s23 =	simm.s32 $0x1B8B  }
0xa2: {  	_ =	swait.ge [sflag:s23], $0x1  }
0xa3: {  	[sflag:s23] =	ssyncset.done $0x0  }
0xa4: {  	s25 =	simm.s32 $0x1B8E;
	s24 =	sld [smem:$0x3FFE];
	[sflag:s23] =	ssyncadd.s32 $0xFFFFFFFF  }
0xa5: {  	s26 =	simm.s32 $execute0_lowered;
	[smem:$0x3FD2] =	sst s25  }
0xa6: {  	s5 =	sshll.u32 s26, $0x1;
	_ =	strace $0x80000049;
	[dreg:$0x1] =	wrdreg $0xFFFFFFFF  }
0xa7: {  	s28 =	simm.s32 $_size_execute0_lowered;
	s3 =	sadd.s32 s3, s5;
	[dreg:$0x0] =	wrdreg $0x0  }
0xa8: {  	s5 =	sshll.u32 s28, $0x1;
	[dreg:$0x2] =	wrdreg s3  }
0xa9: {  	[dreg:$0x3] =	wrdreg s5  }
0xaa: {  	[dreg:$0x4] =	wrdreg $0xC0  }
0xab: {  	_ =	task [dreg:s7], $0x5FFFF  }
0xac: {  	[dreg:$0x1] =	wrdreg $0xFFFFFFFF  }
0xad: {  	[dreg:$0x0] =	wrdreg $0x60  }
0xae: {  	[dreg:$0x2] =	wrdreg s24  }
0xaf: {  	[dreg:$0x3] =	wrdreg s2  }
0xb0: {  	[dreg:$0x4] =	wrdreg $0xD6200  }
0xb1: {  	[dreg:$0x5] =	wrdreg $0x9  }
0xb2: {  	_ =	task.clear_ibuf [dreg:s7], $0x6FFFF;
	_ =	strace $0x90000049  }
0xb3: {  	s29 =	simm.s32 $0x9;
	_ =	strace $0x8000004B  }
0xb4: {  	_ =	swait.ge [sflag:s29], $0x1  }
0xb5: {  	[sflag:s29] =	ssyncadd.s32 $0xFFFFFFFF  }
0xb6: {  	_ =	strace $0x9000004B  }
0xb7: {  	_ =	sfence  }
0xb8: {  	s30 =	sld [smem:$0x0];
	_ =	sdelay $0x2  }
0xb9: {  	s31 =	sshll.u32 s1, $0xD;
	s1 =	sshrl.u32 s1, $0x2  }
0xba: {  	s3 =	sand.u32 $0x4000, s31;
	s1 =	sadd.s32 s1, s30  }
0xbb: {  	s0 =	sor.u32 s3, s0;
	s1 =	sshll.u32 s1, $0x11  }
0xbc: {  	s0 =	sor.u32 s1, s0  }
0xbd: {  	s0 =	sadd.s32 $0x8F2B, s0  }
0xbe: {  	[sflag:s0] =	ssyncadd.remote.s32 $0x1  }
0xbf: {  	_ =	sfence.sel $0xFFFF  }
0xc0: {  	[dreg:$0x0] =	wrdreg $0xFFFFFFFF;
	(pc) =	sbr.abs _section_cstart, $3  }
0xc1: {  	[dreg:$0x1] =	wrdreg $0xFFFFFFFF  }
0xc2: {  	_ =	task.clear_ibuf [dreg:s7], $0x2FFFF;
	_ =	strace $0x9FFFFFFF  }
0xc3: {  	(tm) =	ssettm $0x7FFFFFFF  }
tec
execute0_lowered:
.L_overlay_start_1:
0x0: {  	(tag) =	ssettag $0x1  }
0x1: {  	s6 =	rddreg [dreg:$0x0]  }
0x2: {  	s2 =	rddreg [dreg:$0x1]  }
0x3: {  	s0 =	srdreg.scid;
	s3 =	rddreg [dreg:$0x2];
	s4 =	simm.s32 $0x0  }
0x4: {  	s14 =	simm.s32 $0x64;
	s5 =	sand.u32 $0x1, s0;
	s0 =	stileid.u32  }
0x5: {  	s15 =	simm.s32 $0xA420;
	s16 =	simm.s32 $0x68;
	s8 =	smul.u32 $0xA42, s0  }
0x6: {  	s17 =	simm.s32 $0xBD20;
	s18 =	simm.s32 $0x1;
	s9 =	smul.u32 $0xA000, s0  }
0x7: {  	s19 =	simm.s32 $0x2;
	s20 =	simm.s32 $0x0;
	s10 =	smul.u32 $0x1400, s0  }
0x8: {  	[smem:$0x7FF] =	sst s4;
	s1 =	sshll.u32 s5, $0x4;
	s11 =	smul.u32 $0x14000, s5  }
0x9: {  	s5 =	ssub.s32 $0x2, s5;
	s31 =	sshll.u32 s0, $0x6;
	s1 =	sor.u32 s0, s1  }
0xa: {  	s30 =	sshrl.u32 s5, $0x1;
	s7 =	smul.u32 $0xA42, s1;
	s1 =	rddreg [dreg:$0x3]  }
0xb: {  	_ =	strace $0x8000004A;
	s8 =	sadd.s32 s8, s6;
	s12 =	sshrl.u32 s9, $0x3  }
0xc: {  	s10 =	sadd.s32 s10, s11;
	s11 =	ssub.s32 s5, s30;
	s13 =	sadd.s32 s9, s3  }
0xd: {  	s12 =	sadd.s32 s12, s6;
	s10 =	sadd.s32 s10, s6;
	s9 =	smax.u32 s11, $0x1  }
0xe: {  	s11 =	simm.s32 $0x5210;
	s13 =	sshrl.u32 s13, $0x3;
	s7 =	sadd.s32 s7, s6  }
0xf: {  	s6 =	sadd.s32 $0x1C00, s8;
	s8 =	sadd.s32 $0x88000, s10;
	s10 =	simm.s32 $0x3  }
0x10: {  	s5 =	sadd.s32 $0x11400, s7;
	s7 =	sadd.s32 $0x74000, s12;
	s12 =	sor.u32 $0x1C03, s31  }
.LBB2_1:
0x11: {  	[tilespmem:s4], [sflag:$0x3] =	stream.linear.gather [hbm4b:s5+s4], $0x5210, $0x38;
	[tilespmem:$0x17620] =	vst v63  }
0x12: {  	_ =	swait.ge [sflag:s10], $0x5210  }
0x13: {  	[sflag:s10] =	ssyncset.done $0x0  }
0x14: {  	[sflag:s10] =	ssyncadd.s32 $0xFFFFADF0  }
0x15: {  	[tilespmem:s11], [sflag:$0x3] =	stream.linear.gather [hbm4b:s6+s4], $0x5210, $0x38;
	[tilespmem:$0x17620] =	vst v63  }
0x16: {  	_ =	swait.ge [sflag:s10], $0x5210  }
0x17: {  	[sflag:s10] =	ssyncset.done $0x0  }
0x18: {  	[sflag:s10] =	ssyncadd.s32 $0xFFFFADF0  }
0x19: {  	[spmem:s13], [sflag:s12] =	dma.local [hbm:s7], $0x1400  }
0x1a: {  	_ =	swait.ge [sflag:s10], $0x1400  }
0x1b: {  	[sflag:s10] =	ssyncset.done $0x0  }
0x1c: {  	[sflag:s10] =	ssyncadd.s32 $0xFFFFEC00  }
0x1d: {  	[bflag:$0x0] =	sbarrier.arrive $0xFFFF  }
0x1e: {  	[tilespmem:s15], [sflag:$0x1] =	stream.indirect.gather [hbm4b:s2+s14], $0x40, s4, s14, $0xb8;
	[tilespmem:$0x17620] =	vst v63  }
0x1f: {  	_ = 	snop  }
0x20: {  	[tilespmem:s17], [sflag:$0x2] =	stream.indirect.gather [hbm4b:s2+s14], $0x40, s16, s14, $0xb8;
	[tilespmem:$0x17620] =	vst v63  }
0x21: {  	_ =	swait.ge [sflag:s18], $0x1900  }
0x22: {  	[sflag:s18] =	ssyncset.done $0x0  }
0x23: {  	s21 =	simm.s32 $0x5210;
	[sflag:s18] =	ssyncadd.s32 $0xFFFFE700  }
0x24: {  	[spmem:s3] =	stream.indirect.scatter.add.f32 [tilespmem:s15], [sflag:$0x3], $0x40, s21, s14, $0xb8;
	[tilespmem:$0x17620] =	vst v63  }
0x25: {  	_ =	swait.ge [sflag:s10], $0x1900  }
0x26: {  	[sflag:s10] =	ssyncset.done $0x0  }
0x27: {  	s30 =	simm.s32 $0xD0;
	[sflag:s10] =	ssyncadd.s32 $0xFFFFE700  }
0x28: {  	[tilespmem:s15], [sflag:$0x1] =	stream.indirect.gather [hbm4b:s2+s14], $0x40, s30, s14, $0xb8;
	[tilespmem:$0x17620] =	vst v63  }
0x29: {  	_ =	swait.ge [sflag:s19], $0x1900  }
0x2a: {  	[sflag:s19] =	ssyncset.done $0x0  }
0x2b: {  	s31 =	simm.s32 $0x5278;
	[sflag:s19] =	ssyncadd.s32 $0xFFFFE700  }
0x2c: {  	[spmem:s3] =	stream.indirect.scatter.add.f32 [tilespmem:s17], [sflag:$0x3], $0x40, s31, s14, $0xb8;
	[tilespmem:$0x17620] =	vst v63  }
0x2d: {  	_ =	swait.ge [sflag:s10], $0x1900  }
0x2e: {  	[sflag:s10] =	ssyncset.done $0x0  }
0x2f: {  	s22 =	simm.s32 $0x138;
	s21 =	simm.s32 $0x340;
	[sflag:s10] =	ssyncadd.s32 $0xFFFFE700  }
.LBB2_2:
0x30: {  	[tilespmem:s17], [sflag:$0x2] =	stream.indirect.gather [hbm4b:s2+s14], $0x40, s22, s14, $0xb8;
	[tilespmem:$0x17620] =	vst v63  }
0x31: {  	s22 =	smov.u32 s21  }
0x32: {  	p0 =	sne.s32 s21, $0x141C0;
	s21 =	sadd.s32 $0x340, s21;
	_ =	swait.ge [sflag:s18], $0x1900  }
0x33: {  	s22 =	sshra.s32 s22, $0x2;
	[sflag:s18] =	ssyncset.done $0x0  }
0x34: {  	s23 =	sadd.s32 $0x5210, s22;
	[sflag:s18] =	ssyncadd.s32 $0xFFFFE700  }
0x35: {  	[spmem:s3] =	stream.indirect.scatter.add.f32 [tilespmem:s15], [sflag:$0x3], $0x40, s23, s14, $0xb8;
	[tilespmem:$0x17620] =	vst v63  }
0x36: {  	_ =	swait.ge [sflag:s10], $0x1900  }
0x37: {  	[sflag:s10] =	ssyncset.done $0x0  }
0x38: {  	s23 =	sadd.s32 $0xD0, s22;
	[sflag:s10] =	ssyncadd.s32 $0xFFFFE700  }
0x39: {  	[tilespmem:s15], [sflag:$0x1] =	stream.indirect.gather [hbm4b:s2+s14], $0x40, s23, s14, $0xb8;
	[tilespmem:$0x17620] =	vst v63  }
0x3a: {  	_ =	swait.ge [sflag:s19], $0x1900  }
0x3b: {  	[sflag:s19] =	ssyncset.done $0x0  }
.Ltmp0:
0x3c: {  	s23 =	sadd.s32 $0x5278, s22;
	[sflag:s19] =	ssyncadd.s32 $0xFFFFE700;
	(pc) =	sbr.rel @p0 .LBB2_2-.Ltmp0, $4  }
0x3d: {  	[spmem:s3] =	stream.indirect.scatter.add.f32 [tilespmem:s17], [sflag:$0x3], $0x40, s23, s14, $0xb8;
	[tilespmem:$0x17620] =	vst v63  }
0x3e: {  	_ =	swait.ge [sflag:s10], $0x1900  }
0x3f: {  	[sflag:s10] =	ssyncset.done $0x0  }
0x40: {  	s22 =	sadd.s32 $0x138, s22;
	[sflag:s10] =	ssyncadd.s32 $0xFFFFE700  }
0x41: {  	[tilespmem:s17], [sflag:$0x2] =	stream.indirect.gather [hbm4b:s2+s14], $0x40, s22, s14, $0xb8;
	[tilespmem:$0x17620] =	vst v63  }
0x42: {  	_ =	swait.ge [sflag:s18], $0x1900  }
0x43: {  	[sflag:s18] =	ssyncset.done $0x0  }
0x44: {  	[sflag:s18] =	ssyncadd.s32 $0xFFFFE700  }
0x45: {  	_ =	swait.ge [sflag:s19], $0x1900  }
0x46: {  	s20 =	sadd.s32 $0x1, s20;
	[sflag:s19] =	ssyncset.done $0x0  }
0x47: {  	p0 =	sne.s32 s20, s9;
	[sflag:s19] =	ssyncadd.s32 $0xFFFFE700  }
.Ltmp1:
0x48: {  	[bflag:$0x0] =	sbarrier.arrive $0xFFFF;
	(pc) =	sbr.rel @p0 .LBB2_1-.Ltmp1, $4  }
0x49: {  	[hbm:s8], [sflag:s12] =	dma.local [spmem:s13], $0x1400  }
0x4a: {  	_ =	swait.ge [sflag:s10], $0x1400  }
0x4b: {  	[sflag:s10] =	ssyncset.done $0x0  }
0x4c: {  	[sflag:s10] =	ssyncadd.s32 $0xFFFFEC00  }
0x4d: {  	_ =	sfence.sel $0x180000  }
0x4e: {  	[bflag:$0x0] =	sbarrier.arrive $0xFFFF  }
0x4f: {  	p0 =	sne.s32 s0, $0x0;
	_ =	strace $0x9000004A  }
0x50: {  	s0 =	sadd.s32 @!p0 $0x100000, s1;
	[bflag:$0x2] =	sbarrier.arrive $0xFFFF  }
0x51: {  	[sflag:s0] =	ssyncadd.tile.s32 @!p0 $0x1;
	_ =	shalt  }
.Lfunc_end2:
_tile_overlayer_lowered:
.L_overlay_start_2:
0x52: {  	(tag) =	ssettag $0x2  }
0x53: {  	s0 =	rddreg [dreg:$0x0];
	s2 =	stileid.u32  }
0x54: {  	s1 =	rddreg [dreg:$0x1];
	p0 =	sne.s32 s2, $0x0  }
0x55: {  	s3 =	rddreg [dreg:$0x2];
	[bflag:$0x3] =	sbarrier.arrive $0xFFFF;
	s2 =	simm.s32 @!p0 $0x1C03  }
0x56: {  	[timem:s3], [sflag:s2] =	dma.local @!p0 [hbm:s0], s1  }
0x57: {  	s0 =	simm.s32 @!p0 $0x3  }
0x58: {  	_ =	swait.ge @!p0 [sflag:s0], s1  }
0x59: {  	s1 =	ssub.s32 @!p0 $0x0, s1;
	[sflag:s0] =	ssyncset.done @!p0 $0x0  }
0x5a: {  	[sflag:s0] =	ssyncadd.s32 @!p0 s1  }
0x5b: {  	[bflag:$0x3] =	sbarrier.arrive $0xFFFF  }
0x5c: {  	_ =	shalt  }

// kernel: kernel.14.cloned.1.call-start
scs
__scs_entry_jumppad:
0x0: {  	(pc) =	sbr.rel $0x88, $3  }
0x1: {  	(tag) =	ssettag $0x0;
	lr =	simm.s32 $0x1  }
0x2: {  	[smem:$0x3F9B] =	sst lr;
	_ =	strace $0xD0000000  }
0x3: {  	_ = 	snop  }
0x4: {  	_ = 	snop  }
0x5: {  	_ = 	snop  }
0x6: {  	_ = 	snop  }
0x7: {  	_ = 	snop  }
__scs_overlays_trampoline_lowered:
0x8: {  	[smem:$0x3FAA] =	sst s0  }
0x9: {  	[smem:$0x3FAB] =	sst s1  }
0xa: {  	[smem:$0x3FAC] =	sst s2  }
0xb: {  	[smem:$0x3FAD] =	sst s3  }
0xc: {  	[smem:$0x3FAE] =	sst s4  }
0xd: {  	[smem:$0x3FAF] =	sst s5  }
0xe: {  	[smem:$0x3FB0] =	sst s6  }
0xf: {  	[smem:$0x3FB1] =	sst s7  }
0x10: {  	[smem:$0x3FB2] =	sst s8  }
0x11: {  	[smem:$0x3FB3] =	sst s9;
	s0 =	simm.s32 @!p0 $0x0  }
0x12: {  	s1 =	sld [smem:$0x3F99];
	s0 =	simm.s32 @p0 $0x1  }
0x13: {  	[smem:$0x3FB4] =	sst s0;
	s0 =	simm.s32 @!p1 $0x0  }
0x14: {  	s2 =	sld [smem:$0x3F98];
	s0 =	simm.s32 @p1 $0x1  }
0x15: {  	[smem:$0x3FB5] =	sst s0;
	s0 =	simm.s32 @!p2 $0x0  }
0x16: {  	s3 =	sld [smem:$0x3FDB];
	s0 =	simm.s32 @p2 $0x1  }
0x17: {  	s4 =	simm.s32 $0x1BF5;
	[smem:$0x3FB7] =	sst s0  }
0x18: {  	s0 =	sld [smem:$0x3F9A];
	_ =	swait.ge [sflag:s4], $0x0  }
0x19: {  	s7 =	sld [smem:$0x3F9B]  }
0x1a: {  	s8 =	sadd.s32 $0xFFFFE003, lr  }
0x1b: {  	s9 =	sadd.s32 $0xFFFFFEF7, lr;
	s5 =	simm.s32 $0xFFFFFFFF;
	p2 =	slt.u32 s8, $0xFFFFF086  }
0x1c: {  	p1 =	slt.u32 s9, $0xF7A;
	s5 =	simm.s32 @!p2 $0x0  }
0x1d: {  	s5 =	simm.s32 @p1 $0x1;
	p0 =	seq.s32 s7, s2  }
0x1e: {  	s7 =	smul.u32 @!p0 $0xF7A, s2;
	p2 =	seq.s32 @!p0 s5, $0x0  }
0x1f: {  	s9 =	smul.u32 $0xF7A, s1;
	s8 =	simm.s32 @!p0 $0x1BF5;
	p2 =	por !p2, p0  }
0x20: {  	[sflag:s8] =	ssyncset.s32 @!p0 $0xFFFFF086;
	s6 =	sadd.s32 @!p0 s3, s7;
	s7 =	simm.s32 @!p0 $0x108  }
0x21: {  	s3 =	sadd.s32 s3, s9;
	s6 =	sadd.s32 @!p0 $0x88, s6;
	s7 =	simm.s32 @p2 $0x1082  }
0x22: {  	[simem:s7], [sflag:s8] =	dma.local @!p0 [hbm:s6], $0xF7A  }
0x23: {  	s9 =	sor.u32 $0xD0000000, s2;
	s6 =	simm.s32 $0x108;
	_ =	swait.ge @!p0 [sflag:s8], $0x0  }
0x24: {  	s3 =	sadd.s32 $0x88, s3;
	s6 =	simm.s32 @!p1 $0x1082;
	[sflag:s4] =	ssyncset.s32 $0xFFFFF086  }
0x25: {  	[simem:s6], [sflag:s4] =	dma.local [hbm:s3], $0xF7A  }
0x26: {  	[smem:$0x3F9B] =	sst s1;
	(tag) =	ssettag s2;
	_ =	strace s9  }
0x27: {  	s1 =	sld [smem:$0x3FAB]  }
0x28: {  	s2 =	sld [smem:$0x3FAC]  }
0x29: {  	s4 =	sld [smem:$0x3FAE]  }
0x2a: {  	p0 =	seq.s32 s5, $0x0;
	s5 =	sld [smem:$0x3FAF]  }
0x2b: {  	s6 =	sld [smem:$0x3FB0]  }
0x2c: {  	s7 =	sld [smem:$0x3FB1]  }
0x2d: {  	s3 =	simm.s32 $0x108;
	s8 =	sld [smem:$0x3FB2]  }
0x2e: {  	s3 =	simm.s32 @!p0 $0x1082;
	s9 =	sld [smem:$0x3FB3]  }
0x2f: {  	lr =	sadd.s32 s0, s3;
	s0 =	sld [smem:$0x3FAA]  }
0x30: {  	s3 =	sld [smem:$0x3FAD]  }
0x31: {  	[smem:$0x3FB6] =	sst s10  }
0x32: {  	s10 =	sld [smem:$0x3FB4];
	_ =	sdelay $0x3  }
0x33: {  	p0 =	seq.s32 s10, $0x1;
	s10 =	sld [smem:$0x3FB6];
	_ =	sdelay $0x3  }
0x34: {  	[smem:$0x3FB6] =	sst s10  }
0x35: {  	s10 =	sld [smem:$0x3FB5];
	_ =	sdelay $0x3  }
0x36: {  	p1 =	seq.s32 s10, $0x1;
	s10 =	sld [smem:$0x3FB6];
	_ =	sdelay $0x3  }
0x37: {  	[smem:$0x3FB6] =	sst s10  }
0x38: {  	s10 =	sld [smem:$0x3FB7]  }
0x39: {  	_ = 	snop;
	(pc) =	sbr.ind lr, $3  }
0x3a: {  	_ = 	snop  }
0x3b: {  	_ = 	snop  }
0x3c: {  	p2 =	seq.s32 s10, $0x1;
	s10 =	sld [smem:$0x3FB6]  }
0x3d: {  	_ =	shalt  }
0x3e: {  	_ =	shalt  }
0x3f: {  	_ =	shalt  }
0x40: {  	_ =	shalt  }
0x41: {  	_ =	shalt  }
0x42: {  	_ =	shalt  }
0x43: {  	_ =	shalt  }
0x44: {  	_ =	shalt  }
0x45: {  	_ =	shalt  }
0x46: {  	_ =	shalt  }
0x47: {  	_ =	shalt  }
0x48: {  	_ =	shalt  }
0x49: {  	_ =	shalt  }
0x4a: {  	_ =	shalt  }
0x4b: {  	_ =	shalt  }
0x4c: {  	_ =	shalt  }
0x4d: {  	_ =	shalt  }
0x4e: {  	_ =	shalt  }
0x4f: {  	_ =	shalt  }
0x50: {  	_ =	shalt  }
0x51: {  	_ =	shalt  }
0x52: {  	_ =	shalt  }
0x53: {  	_ =	shalt  }
0x54: {  	_ =	shalt  }
0x55: {  	_ =	shalt  }
0x56: {  	_ =	shalt  }
0x57: {  	_ =	shalt  }
0x58: {  	_ =	shalt  }
0x59: {  	_ =	shalt  }
0x5a: {  	_ =	shalt  }
0x5b: {  	_ =	shalt  }
0x5c: {  	_ =	shalt  }
0x5d: {  	_ =	shalt  }
0x5e: {  	_ =	shalt  }
0x5f: {  	_ =	shalt  }
0x60: {  	_ =	shalt  }
0x61: {  	_ =	shalt  }
0x62: {  	_ =	shalt  }
0x63: {  	_ =	shalt  }
0x64: {  	_ =	shalt  }
0x65: {  	_ =	shalt  }
0x66: {  	_ =	shalt  }
0x67: {  	_ =	shalt  }
0x68: {  	_ =	shalt  }
0x69: {  	_ =	shalt  }
0x6a: {  	_ =	shalt  }
0x6b: {  	_ =	shalt  }
0x6c: {  	_ =	shalt  }
0x6d: {  	_ =	shalt  }
0x6e: {  	_ =	shalt  }
0x6f: {  	_ =	shalt  }
0x70: {  	_ =	shalt  }
0x71: {  	_ =	shalt  }
0x72: {  	_ =	shalt  }
0x73: {  	_ =	shalt  }
0x74: {  	_ =	shalt  }
0x75: {  	_ =	shalt  }
0x76: {  	_ =	shalt  }
0x77: {  	_ =	shalt  }
0x78: {  	_ =	shalt  }
0x79: {  	_ =	shalt  }
0x7a: {  	_ =	shalt  }
0x7b: {  	_ =	shalt  }
0x7c: {  	_ =	shalt  }
0x7d: {  	_ =	shalt  }
0x7e: {  	_ =	shalt  }
0x7f: {  	_ =	shalt  }
0x80: {  	_ =	shalt  }
0x81: {  	_ =	shalt  }
0x82: {  	_ =	shalt  }
0x83: {  	_ =	shalt  }
0x84: {  	_ =	shalt  }
0x85: {  	_ =	shalt  }
0x86: {  	_ =	shalt  }
0x87: {  	_ =	shalt  }
.Lfunc_end0:
.L_simem_size_0:
called_computation.2_lowered:
.L_overlay_start_0:
0x88: {  	s2 =	sld [smem:$0x3FD9]  }
0x89: {  	s3 =	sld [smem:$0x3FFE];
	_ =	sdelay $0x1  }
0x8a: {  	s1 =	srdreg.scid  }
0x8b: {  	s0 =	sand.u32 $0x1, s1  }
0x8c: {  	s17 =	sshll.u32 s0, $0xA;
	s2 =	sadd.s32 s3, s2  }
0x8d: {  	s2 =	sadd.s32 s2, s17  }
0x8e: {  	[smem:$0x3FC2] =	sst s2  }
0x8f: {  	_ = 	snop  }
0x90: {  	s2 =	sld [smem:$0x3FD0];
	(tm) =	ssettm $0x1  }
0x91: {  	s18 =	sld [smem:$0x3FFB];
	_ =	sdelay $0x3  }
0x92: {  	_ =	strace s18  }
0x93: {  	s3 =	sld [smem:$0x3FFC];
	_ =	sdelay $0x3  }
0x94: {  	_ =	strace s3  }
0x95: {  	s3 =	sld [smem:$0x3FFD];
	_ =	sdelay $0x3  }
0x96: {  	_ =	strace s3  }
0x97: {  	_ =	strace $0x8FFFFFFF  }
0x98: {  	s19 =	sld [smem:$0x3FDB];
	_ =	sdelay $0x1  }
0x99: {  	s4 =	simm.s32 $_scs_section_size  }
0x9a: {  	s5 =	simm.s32 $_size__tile_overlayer_lowered;
	s6 =	simm.s32 $_tile_overlayer_lowered  }
0x9b: {  	s22 =	simm.s32 $0x1BFF;
	s21 =	sshll.u32 s6, $0x1;
	s3 =	sadd.s32 s4, s19  }
0x9c: {  	s7 =	simm.s32 $0x0;
	s20 =	sshll.u32 s5, $0x1;
	s5 =	sadd.s32 s21, s3  }
0x9d: {  	[timem:s7], [sflag:s22] =	dma.local [hbm:s5], s20  }
0x9e: {  	_ =	swait.ge [sflag:s22], s20  }
0x9f: {  	s4 =	ssub.s32 $0x0, s20;
	[sflag:s22] =	ssyncset.done $0x0  }
0xa0: {  	[sflag:s22] =	ssyncadd.s32 s4;
	_ =	sdelay $0x1  }
0xa1: {  	s23 =	simm.s32 $0x1B8B  }
0xa2: {  	_ =	swait.ge [sflag:s23], $0x1  }
0xa3: {  	[sflag:s23] =	ssyncset.done $0x0  }
0xa4: {  	s25 =	simm.s32 $0x1B8E;
	s24 =	sld [smem:$0x3FFE];
	[sflag:s23] =	ssyncadd.s32 $0xFFFFFFFF  }
0xa5: {  	s26 =	simm.s32 $execute0_lowered;
	[smem:$0x3FD2] =	sst s25  }
0xa6: {  	s5 =	sshll.u32 s26, $0x1;
	_ =	strace $0x8000004C;
	[dreg:$0x1] =	wrdreg $0xFFFFFFFF  }
0xa7: {  	s28 =	simm.s32 $_size_execute0_lowered;
	s3 =	sadd.s32 s3, s5;
	[dreg:$0x0] =	wrdreg $0x0  }
0xa8: {  	s5 =	sshll.u32 s28, $0x1;
	[dreg:$0x2] =	wrdreg s3  }
0xa9: {  	[dreg:$0x3] =	wrdreg s5  }
0xaa: {  	[dreg:$0x4] =	wrdreg $0xC0  }
0xab: {  	_ =	task [dreg:s7], $0x5FFFF  }
0xac: {  	[dreg:$0x1] =	wrdreg $0xFFFFFFFF  }
0xad: {  	[dreg:$0x0] =	wrdreg $0x60  }
0xae: {  	[dreg:$0x2] =	wrdreg s24  }
0xaf: {  	[dreg:$0x3] =	wrdreg s2  }
0xb0: {  	[dreg:$0x4] =	wrdreg $0xD6200  }
0xb1: {  	[dreg:$0x5] =	wrdreg $0x9  }
0xb2: {  	_ =	task.clear_ibuf [dreg:s7], $0x6FFFF;
	_ =	strace $0x9000004C  }
0xb3: {  	s29 =	simm.s32 $0x9;
	_ =	strace $0x8000004E  }
0xb4: {  	_ =	swait.ge [sflag:s29], $0x1  }
0xb5: {  	[sflag:s29] =	ssyncadd.s32 $0xFFFFFFFF  }
0xb6: {  	_ =	strace $0x9000004E  }
0xb7: {  	_ =	sfence  }
0xb8: {  	s30 =	sld [smem:$0x0];
	_ =	sdelay $0x2  }
0xb9: {  	s31 =	sshll.u32 s1, $0xD;
	s1 =	sshrl.u32 s1, $0x2  }
0xba: {  	s3 =	sand.u32 $0x4000, s31;
	s1 =	sadd.s32 s1, s30  }
0xbb: {  	s0 =	sor.u32 s3, s0;
	s1 =	sshll.u32 s1, $0x11  }
0xbc: {  	s0 =	sor.u32 s1, s0  }
0xbd: {  	s0 =	sadd.s32 $0x8F2B, s0  }
0xbe: {  	[sflag:s0] =	ssyncadd.remote.s32 $0x1  }
0xbf: {  	_ =	sfence.sel $0xFFFF  }
0xc0: {  	[dreg:$0x0] =	wrdreg $0xFFFFFFFF;
	(pc) =	sbr.abs _section_cstart, $3  }
0xc1: {  	[dreg:$0x1] =	wrdreg $0xFFFFFFFF  }
0xc2: {  	_ =	task.clear_ibuf [dreg:s7], $0x2FFFF;
	_ =	strace $0x9FFFFFFF  }
0xc3: {  	(tm) =	ssettm $0x7FFFFFFF  }
tec
execute0_lowered:
.L_overlay_start_1:
0x0: {  	(tag) =	ssettag $0x1  }
0x1: {  	s6 =	rddreg [dreg:$0x0]  }
0x2: {  	s2 =	rddreg [dreg:$0x1]  }
0x3: {  	s0 =	srdreg.scid;
	s3 =	rddreg [dreg:$0x2];
	s4 =	simm.s32 $0x0  }
0x4: {  	s14 =	simm.s32 $0x64;
	s5 =	sand.u32 $0x1, s0;
	s0 =	stileid.u32  }
0x5: {  	s15 =	simm.s32 $0xA420;
	s16 =	simm.s32 $0x68;
	s8 =	smul.u32 $0xA42, s0  }
0x6: {  	s17 =	simm.s32 $0xBD20;
	s18 =	simm.s32 $0x1;
	s9 =	smul.u32 $0xA000, s0  }
0x7: {  	s19 =	simm.s32 $0x2;
	s20 =	simm.s32 $0x0;
	s10 =	smul.u32 $0x1400, s0  }
0x8: {  	[smem:$0x7FF] =	sst s4;
	s1 =	sshll.u32 s5, $0x4;
	s11 =	smul.u32 $0x14000, s5  }
0x9: {  	s5 =	ssub.s32 $0x2, s5;
	s31 =	sshll.u32 s0, $0x6;
	s1 =	sor.u32 s0, s1  }
0xa: {  	s30 =	sshrl.u32 s5, $0x1;
	s7 =	smul.u32 $0xA42, s1;
	s1 =	rddreg [dreg:$0x3]  }
0xb: {  	_ =	strace $0x8000004D;
	s8 =	sadd.s32 s8, s6;
	s12 =	sshrl.u32 s9, $0x3  }
0xc: {  	s10 =	sadd.s32 s10, s11;
	s11 =	ssub.s32 s5, s30;
	s13 =	sadd.s32 s9, s3  }
0xd: {  	s12 =	sadd.s32 s12, s6;
	s10 =	sadd.s32 s10, s6;
	s9 =	smax.u32 s11, $0x1  }
0xe: {  	s11 =	simm.s32 $0x5210;
	s13 =	sshrl.u32 s13, $0x3;
	s7 =	sadd.s32 s7, s6  }
0xf: {  	s6 =	sadd.s32 $0x1C00, s8;
	s8 =	sadd.s32 $0x25E00, s10;
	s10 =	simm.s32 $0x3  }
0x10: {  	s5 =	sadd.s32 $0x11400, s7;
	s7 =	sadd.s32 $0x74000, s12;
	s12 =	sor.u32 $0x1C03, s31  }
.LBB2_1:
0x11: {  	[tilespmem:s4], [sflag:$0x3] =	stream.linear.gather [hbm4b:s5+s4], $0x5210, $0x38;
	[tilespmem:$0x17620] =	vst v63  }
0x12: {  	_ =	swait.ge [sflag:s10], $0x5210  }
0x13: {  	[sflag:s10] =	ssyncset.done $0x0  }
0x14: {  	[sflag:s10] =	ssyncadd.s32 $0xFFFFADF0  }
0x15: {  	[tilespmem:s11], [sflag:$0x3] =	stream.linear.gather [hbm4b:s6+s4], $0x5210, $0x38;
	[tilespmem:$0x17620] =	vst v63  }
0x16: {  	_ =	swait.ge [sflag:s10], $0x5210  }
0x17: {  	[sflag:s10] =	ssyncset.done $0x0  }
0x18: {  	[sflag:s10] =	ssyncadd.s32 $0xFFFFADF0  }
0x19: {  	[spmem:s13], [sflag:s12] =	dma.local [hbm:s7], $0x1400  }
0x1a: {  	_ =	swait.ge [sflag:s10], $0x1400  }
0x1b: {  	[sflag:s10] =	ssyncset.done $0x0  }
0x1c: {  	[sflag:s10] =	ssyncadd.s32 $0xFFFFEC00  }
0x1d: {  	[bflag:$0x0] =	sbarrier.arrive $0xFFFF  }
0x1e: {  	[tilespmem:s15], [sflag:$0x1] =	stream.indirect.gather [hbm4b:s2+s14], $0x40, s4, s14, $0xb8;
	[tilespmem:$0x17620] =	vst v63  }
0x1f: {  	_ = 	snop  }
0x20: {  	[tilespmem:s17], [sflag:$0x2] =	stream.indirect.gather [hbm4b:s2+s14], $0x40, s16, s14, $0xb8;
	[tilespmem:$0x17620] =	vst v63  }
0x21: {  	_ =	swait.ge [sflag:s18], $0x1900  }
0x22: {  	[sflag:s18] =	ssyncset.done $0x0  }
0x23: {  	s21 =	simm.s32 $0x5210;
	[sflag:s18] =	ssyncadd.s32 $0xFFFFE700  }
0x24: {  	[spmem:s3] =	stream.indirect.scatter.add.f32 [tilespmem:s15], [sflag:$0x3], $0x40, s21, s14, $0xb8;
	[tilespmem:$0x17620] =	vst v63  }
0x25: {  	_ =	swait.ge [sflag:s10], $0x1900  }
0x26: {  	[sflag:s10] =	ssyncset.done $0x0  }
0x27: {  	s30 =	simm.s32 $0xD0;
	[sflag:s10] =	ssyncadd.s32 $0xFFFFE700  }
0x28: {  	[tilespmem:s15], [sflag:$0x1] =	stream.indirect.gather [hbm4b:s2+s14], $0x40, s30, s14, $0xb8;
	[tilespmem:$0x17620] =	vst v63  }
0x29: {  	_ =	swait.ge [sflag:s19], $0x1900  }
0x2a: {  	[sflag:s19] =	ssyncset.done $0x0  }
0x2b: {  	s31 =	simm.s32 $0x5278;
	[sflag:s19] =	ssyncadd.s32 $0xFFFFE700  }
0x2c: {  	[spmem:s3] =	stream.indirect.scatter.add.f32 [tilespmem:s17], [sflag:$0x3], $0x40, s31, s14, $0xb8;
	[tilespmem:$0x17620] =	vst v63  }
0x2d: {  	_ =	swait.ge [sflag:s10], $0x1900  }
0x2e: {  	[sflag:s10] =	ssyncset.done $0x0  }
0x2f: {  	s22 =	simm.s32 $0x138;
	s21 =	simm.s32 $0x340;
	[sflag:s10] =	ssyncadd.s32 $0xFFFFE700  }
.LBB2_2:
0x30: {  	[tilespmem:s17], [sflag:$0x2] =	stream.indirect.gather [hbm4b:s2+s14], $0x40, s22, s14, $0xb8;
	[tilespmem:$0x17620] =	vst v63  }
0x31: {  	s22 =	smov.u32 s21  }
0x32: {  	p0 =	sne.s32 s21, $0x141C0;
	s21 =	sadd.s32 $0x340, s21;
	_ =	swait.ge [sflag:s18], $0x1900  }
0x33: {  	s22 =	sshra.s32 s22, $0x2;
	[sflag:s18] =	ssyncset.done $0x0  }
0x34: {  	s23 =	sadd.s32 $0x5210, s22;
	[sflag:s18] =	ssyncadd.s32 $0xFFFFE700  }
0x35: {  	[spmem:s3] =	stream.indirect.scatter.add.f32 [tilespmem:s15], [sflag:$0x3], $0x40, s23, s14, $0xb8;
	[tilespmem:$0x17620] =	vst v63  }
0x36: {  	_ =	swait.ge [sflag:s10], $0x1900  }
0x37: {  	[sflag:s10] =	ssyncset.done $0x0  }
0x38: {  	s23 =	sadd.s32 $0xD0, s22;
	[sflag:s10] =	ssyncadd.s32 $0xFFFFE700  }
0x39: {  	[tilespmem:s15], [sflag:$0x1] =	stream.indirect.gather [hbm4b:s2+s14], $0x40, s23, s14, $0xb8;
	[tilespmem:$0x17620] =	vst v63  }
0x3a: {  	_ =	swait.ge [sflag:s19], $0x1900  }
0x3b: {  	[sflag:s19] =	ssyncset.done $0x0  }
.Ltmp0:
0x3c: {  	s23 =	sadd.s32 $0x5278, s22;
	[sflag:s19] =	ssyncadd.s32 $0xFFFFE700;
	(pc) =	sbr.rel @p0 .LBB2_2-.Ltmp0, $4  }
0x3d: {  	[spmem:s3] =	stream.indirect.scatter.add.f32 [tilespmem:s17], [sflag:$0x3], $0x40, s23, s14, $0xb8;
	[tilespmem:$0x17620] =	vst v63  }
0x3e: {  	_ =	swait.ge [sflag:s10], $0x1900  }
0x3f: {  	[sflag:s10] =	ssyncset.done $0x0  }
0x40: {  	s22 =	sadd.s32 $0x138, s22;
	[sflag:s10] =	ssyncadd.s32 $0xFFFFE700  }
0x41: {  	[tilespmem:s17], [sflag:$0x2] =	stream.indirect.gather [hbm4b:s2+s14], $0x40, s22, s14, $0xb8;
	[tilespmem:$0x17620] =	vst v63  }
0x42: {  	_ =	swait.ge [sflag:s18], $0x1900  }
0x43: {  	[sflag:s18] =	ssyncset.done $0x0  }
0x44: {  	[sflag:s18] =	ssyncadd.s32 $0xFFFFE700  }
0x45: {  	_ =	swait.ge [sflag:s19], $0x1900  }
0x46: {  	s20 =	sadd.s32 $0x1, s20;
	[sflag:s19] =	ssyncset.done $0x0  }
0x47: {  	p0 =	sne.s32 s20, s9;
	[sflag:s19] =	ssyncadd.s32 $0xFFFFE700  }
.Ltmp1:
0x48: {  	[bflag:$0x0] =	sbarrier.arrive $0xFFFF;
	(pc) =	sbr.rel @p0 .LBB2_1-.Ltmp1, $4  }
0x49: {  	[hbm:s8], [sflag:s12] =	dma.local [spmem:s13], $0x1400  }
0x4a: {  	_ =	swait.ge [sflag:s10], $0x1400  }
0x4b: {  	[sflag:s10] =	ssyncset.done $0x0  }
0x4c: {  	[sflag:s10] =	ssyncadd.s32 $0xFFFFEC00  }
0x4d: {  	_ =	sfence.sel $0x180000  }
0x4e: {  	[bflag:$0x0] =	sbarrier.arrive $0xFFFF  }
0x4f: {  	p0 =	sne.s32 s0, $0x0;
	_ =	strace $0x9000004D  }
0x50: {  	s0 =	sadd.s32 @!p0 $0x100000, s1;
	[bflag:$0x2] =	sbarrier.arrive $0xFFFF  }
0x51: {  	[sflag:s0] =	ssyncadd.tile.s32 @!p0 $0x1;
	_ =	shalt  }
.Lfunc_end2:
_tile_overlayer_lowered:
.L_overlay_start_2:
0x52: {  	(tag) =	ssettag $0x2  }
0x53: {  	s0 =	rddreg [dreg:$0x0];
	s2 =	stileid.u32  }
0x54: {  	s1 =	rddreg [dreg:$0x1];
	p0 =	sne.s32 s2, $0x0  }
0x55: {  	s3 =	rddreg [dreg:$0x2];
	[bflag:$0x3] =	sbarrier.arrive $0xFFFF;
	s2 =	simm.s32 @!p0 $0x1C03  }
0x56: {  	[timem:s3], [sflag:s2] =	dma.local @!p0 [hbm:s0], s1  }
0x57: {  	s0 =	simm.s32 @!p0 $0x3  }
0x58: {  	_ =	swait.ge @!p0 [sflag:s0], s1  }
0x59: {  	s1 =	ssub.s32 @!p0 $0x0, s1;
	[sflag:s0] =	ssyncset.done @!p0 $0x0  }
0x5a: {  	[sflag:s0] =	ssyncadd.s32 @!p0 s1  }
0x5b: {  	[bflag:$0x3] =	sbarrier.arrive $0xFFFF  }
0x5c: {  	_ =	shalt  }

// kernel: kernel.8.cloned.1.call-start
scs
__scs_entry_jumppad:
0x0: {  	(pc) =	sbr.rel $0x88, $3  }
0x1: {  	(tag) =	ssettag $0x0;
	lr =	simm.s32 $0x1  }
0x2: {  	[smem:$0x3F9B] =	sst lr;
	_ =	strace $0xD0000000  }
0x3: {  	_ = 	snop  }
0x4: {  	_ = 	snop  }
0x5: {  	_ = 	snop  }
0x6: {  	_ = 	snop  }
0x7: {  	_ = 	snop  }
__scs_overlays_trampoline_lowered:
0x8: {  	[smem:$0x3FAA] =	sst s0  }
0x9: {  	[smem:$0x3FAB] =	sst s1  }
0xa: {  	[smem:$0x3FAC] =	sst s2  }
0xb: {  	[smem:$0x3FAD] =	sst s3  }
0xc: {  	[smem:$0x3FAE] =	sst s4  }
0xd: {  	[smem:$0x3FAF] =	sst s5  }
0xe: {  	[smem:$0x3FB0] =	sst s6  }
0xf: {  	[smem:$0x3FB1] =	sst s7  }
0x10: {  	[smem:$0x3FB2] =	sst s8  }
0x11: {  	[smem:$0x3FB3] =	sst s9;
	s0 =	simm.s32 @!p0 $0x0  }
0x12: {  	s1 =	sld [smem:$0x3F99];
	s0 =	simm.s32 @p0 $0x1  }
0x13: {  	[smem:$0x3FB4] =	sst s0;
	s0 =	simm.s32 @!p1 $0x0  }
0x14: {  	s2 =	sld [smem:$0x3F98];
	s0 =	simm.s32 @p1 $0x1  }
0x15: {  	[smem:$0x3FB5] =	sst s0;
	s0 =	simm.s32 @!p2 $0x0  }
0x16: {  	s3 =	sld [smem:$0x3FDB];
	s0 =	simm.s32 @p2 $0x1  }
0x17: {  	s4 =	simm.s32 $0x1BF5;
	[smem:$0x3FB7] =	sst s0  }
0x18: {  	s0 =	sld [smem:$0x3F9A];
	_ =	swait.ge [sflag:s4], $0x0  }
0x19: {  	s7 =	sld [smem:$0x3F9B]  }
0x1a: {  	s8 =	sadd.s32 $0xFFFFE003, lr  }
0x1b: {  	s9 =	sadd.s32 $0xFFFFFEF7, lr;
	s5 =	simm.s32 $0xFFFFFFFF;
	p2 =	slt.u32 s8, $0xFFFFF086  }
0x1c: {  	p1 =	slt.u32 s9, $0xF7A;
	s5 =	simm.s32 @!p2 $0x0  }
0x1d: {  	s5 =	simm.s32 @p1 $0x1;
	p0 =	seq.s32 s7, s2  }
0x1e: {  	s7 =	smul.u32 @!p0 $0xF7A, s2;
	p2 =	seq.s32 @!p0 s5, $0x0  }
0x1f: {  	s9 =	smul.u32 $0xF7A, s1;
	s8 =	simm.s32 @!p0 $0x1BF5;
	p2 =	por !p2, p0  }
0x20: {  	[sflag:s8] =	ssyncset.s32 @!p0 $0xFFFFF086;
	s6 =	sadd.s32 @!p0 s3, s7;
	s7 =	simm.s32 @!p0 $0x108  }
0x21: {  	s3 =	sadd.s32 s3, s9;
	s6 =	sadd.s32 @!p0 $0x88, s6;
	s7 =	simm.s32 @p2 $0x1082  }
0x22: {  	[simem:s7], [sflag:s8] =	dma.local @!p0 [hbm:s6], $0xF7A  }
0x23: {  	s9 =	sor.u32 $0xD0000000, s2;
	s6 =	simm.s32 $0x108;
	_ =	swait.ge @!p0 [sflag:s8], $0x0  }
0x24: {  	s3 =	sadd.s32 $0x88, s3;
	s6 =	simm.s32 @!p1 $0x1082;
	[sflag:s4] =	ssyncset.s32 $0xFFFFF086  }
0x25: {  	[simem:s6], [sflag:s4] =	dma.local [hbm:s3], $0xF7A  }
0x26: {  	[smem:$0x3F9B] =	sst s1;
	(tag) =	ssettag s2;
	_ =	strace s9  }
0x27: {  	s1 =	sld [smem:$0x3FAB]  }
0x28: {  	s2 =	sld [smem:$0x3FAC]  }
0x29: {  	s4 =	sld [smem:$0x3FAE]  }
0x2a: {  	p0 =	seq.s32 s5, $0x0;
	s5 =	sld [smem:$0x3FAF]  }
0x2b: {  	s6 =	sld [smem:$0x3FB0]  }
0x2c: {  	s7 =	sld [smem:$0x3FB1]  }
0x2d: {  	s3 =	simm.s32 $0x108;
	s8 =	sld [smem:$0x3FB2]  }
0x2e: {  	s3 =	simm.s32 @!p0 $0x1082;
	s9 =	sld [smem:$0x3FB3]  }
0x2f: {  	lr =	sadd.s32 s0, s3;
	s0 =	sld [smem:$0x3FAA]  }
0x30: {  	s3 =	sld [smem:$0x3FAD]  }
0x31: {  	[smem:$0x3FB6] =	sst s10  }
0x32: {  	s10 =	sld [smem:$0x3FB4];
	_ =	sdelay $0x3  }
0x33: {  	p0 =	seq.s32 s10, $0x1;
	s10 =	sld [smem:$0x3FB6];
	_ =	sdelay $0x3  }
0x34: {  	[smem:$0x3FB6] =	sst s10  }
0x35: {  	s10 =	sld [smem:$0x3FB5];
	_ =	sdelay $0x3  }
0x36: {  	p1 =	seq.s32 s10, $0x1;
	s10 =	sld [smem:$0x3FB6];
	_ =	sdelay $0x3  }
0x37: {  	[smem:$0x3FB6] =	sst s10  }
0x38: {  	s10 =	sld [smem:$0x3FB7]  }
0x39: {  	_ = 	snop;
	(pc) =	sbr.ind lr, $3  }
0x3a: {  	_ = 	snop  }
0x3b: {  	_ = 	snop  }
0x3c: {  	p2 =	seq.s32 s10, $0x1;
	s10 =	sld [smem:$0x3FB6]  }
0x3d: {  	_ =	shalt  }
0x3e: {  	_ =	shalt  }
0x3f: {  	_ =	shalt  }
0x40: {  	_ =	shalt  }
0x41: {  	_ =	shalt  }
0x42: {  	_ =	shalt  }
0x43: {  	_ =	shalt  }
0x44: {  	_ =	shalt  }
0x45: {  	_ =	shalt  }
0x46: {  	_ =	shalt  }
0x47: {  	_ =	shalt  }
0x48: {  	_ =	shalt  }
0x49: {  	_ =	shalt  }
0x4a: {  	_ =	shalt  }
0x4b: {  	_ =	shalt  }
0x4c: {  	_ =	shalt  }
0x4d: {  	_ =	shalt  }
0x4e: {  	_ =	shalt  }
0x4f: {  	_ =	shalt  }
0x50: {  	_ =	shalt  }
0x51: {  	_ =	shalt  }
0x52: {  	_ =	shalt  }
0x53: {  	_ =	shalt  }
0x54: {  	_ =	shalt  }
0x55: {  	_ =	shalt  }
0x56: {  	_ =	shalt  }
0x57: {  	_ =	shalt  }
0x58: {  	_ =	shalt  }
0x59: {  	_ =	shalt  }
0x5a: {  	_ =	shalt  }
0x5b: {  	_ =	shalt  }
0x5c: {  	_ =	shalt  }
0x5d: {  	_ =	shalt  }
0x5e: {  	_ =	shalt  }
0x5f: {  	_ =	shalt  }
0x60: {  	_ =	shalt  }
0x61: {  	_ =	shalt  }
0x62: {  	_ =	shalt  }
0x63: {  	_ =	shalt  }
0x64: {  	_ =	shalt  }
0x65: {  	_ =	shalt  }
0x66: {  	_ =	shalt  }
0x67: {  	_ =	shalt  }
0x68: {  	_ =	shalt  }
0x69: {  	_ =	shalt  }
0x6a: {  	_ =	shalt  }
0x6b: {  	_ =	shalt  }
0x6c: {  	_ =	shalt  }
0x6d: {  	_ =	shalt  }
0x6e: {  	_ =	shalt  }
0x6f: {  	_ =	shalt  }
0x70: {  	_ =	shalt  }
0x71: {  	_ =	shalt  }
0x72: {  	_ =	shalt  }
0x73: {  	_ =	shalt  }
0x74: {  	_ =	shalt  }
0x75: {  	_ =	shalt  }
0x76: {  	_ =	shalt  }
0x77: {  	_ =	shalt  }
0x78: {  	_ =	shalt  }
0x79: {  	_ =	shalt  }
0x7a: {  	_ =	shalt  }
0x7b: {  	_ =	shalt  }
0x7c: {  	_ =	shalt  }
0x7d: {  	_ =	shalt  }
0x7e: {  	_ =	shalt  }
0x7f: {  	_ =	shalt  }
0x80: {  	_ =	shalt  }
0x81: {  	_ =	shalt  }
0x82: {  	_ =	shalt  }
0x83: {  	_ =	shalt  }
0x84: {  	_ =	shalt  }
0x85: {  	_ =	shalt  }
0x86: {  	_ =	shalt  }
0x87: {  	_ =	shalt  }
.Lfunc_end0:
.L_simem_size_0:
called_computation_lowered:
.L_overlay_start_0:
0x88: {  	s2 =	sld [smem:$0x3FD9]  }
0x89: {  	s3 =	sld [smem:$0x3FFE];
	_ =	sdelay $0x1  }
0x8a: {  	s1 =	srdreg.scid  }
0x8b: {  	s0 =	sand.u32 $0x1, s1  }
0x8c: {  	s17 =	sshll.u32 s0, $0xA;
	s2 =	sadd.s32 s3, s2  }
0x8d: {  	s2 =	sadd.s32 s2, s17  }
0x8e: {  	[smem:$0x3FC2] =	sst s2  }
0x8f: {  	_ = 	snop  }
0x90: {  	s2 =	sld [smem:$0x3FD0];
	(tm) =	ssettm $0x1  }
0x91: {  	s18 =	sld [smem:$0x3FFB];
	_ =	sdelay $0x3  }
0x92: {  	_ =	strace s18  }
0x93: {  	s3 =	sld [smem:$0x3FFC];
	_ =	sdelay $0x3  }
0x94: {  	_ =	strace s3  }
0x95: {  	s3 =	sld [smem:$0x3FFD];
	_ =	sdelay $0x3  }
0x96: {  	_ =	strace s3  }
0x97: {  	_ =	strace $0x8FFFFFFF  }
0x98: {  	s19 =	sld [smem:$0x3FDB];
	_ =	sdelay $0x1  }
0x99: {  	s4 =	simm.s32 $_scs_section_size  }
0x9a: {  	s5 =	simm.s32 $_size__tile_overlayer_lowered;
	s6 =	simm.s32 $_tile_overlayer_lowered  }
0x9b: {  	s22 =	simm.s32 $0x1BFF;
	s21 =	sshll.u32 s6, $0x1;
	s3 =	sadd.s32 s4, s19  }
0x9c: {  	s7 =	simm.s32 $0x0;
	s20 =	sshll.u32 s5, $0x1;
	s5 =	sadd.s32 s21, s3  }
0x9d: {  	[timem:s7], [sflag:s22] =	dma.local [hbm:s5], s20  }
0x9e: {  	_ =	swait.ge [sflag:s22], s20  }
0x9f: {  	s4 =	ssub.s32 $0x0, s20;
	[sflag:s22] =	ssyncset.done $0x0  }
0xa0: {  	[sflag:s22] =	ssyncadd.s32 s4;
	_ =	sdelay $0x1  }
0xa1: {  	s23 =	simm.s32 $0x1B8B  }
0xa2: {  	_ =	swait.ge [sflag:s23], $0x1  }
0xa3: {  	[sflag:s23] =	ssyncset.done $0x0  }
0xa4: {  	s25 =	simm.s32 $0x1B8E;
	s24 =	sld [smem:$0x3FFE];
	[sflag:s23] =	ssyncadd.s32 $0xFFFFFFFF  }
0xa5: {  	s26 =	simm.s32 $execute0_lowered;
	[smem:$0x3FD2] =	sst s25  }
0xa6: {  	s5 =	sshll.u32 s26, $0x1;
	_ =	strace $0x80000046;
	[dreg:$0x1] =	wrdreg $0xFFFFFFFF  }
0xa7: {  	s28 =	simm.s32 $_size_execute0_lowered;
	s3 =	sadd.s32 s3, s5;
	[dreg:$0x0] =	wrdreg $0x0  }
0xa8: {  	s5 =	sshll.u32 s28, $0x1;
	[dreg:$0x2] =	wrdreg s3  }
0xa9: {  	[dreg:$0x3] =	wrdreg s5  }
0xaa: {  	[dreg:$0x4] =	wrdreg $0xC0  }
0xab: {  	_ =	task [dreg:s7], $0x5FFFF  }
0xac: {  	[dreg:$0x1] =	wrdreg $0xFFFFFFFF  }
0xad: {  	[dreg:$0x0] =	wrdreg $0x60  }
0xae: {  	[dreg:$0x2] =	wrdreg s24  }
0xaf: {  	[dreg:$0x3] =	wrdreg s2  }
0xb0: {  	[dreg:$0x4] =	wrdreg $0x58500  }
0xb1: {  	[dreg:$0x5] =	wrdreg $0x9  }
0xb2: {  	_ =	task.clear_ibuf [dreg:s7], $0x6FFFF;
	_ =	strace $0x90000046  }
0xb3: {  	s29 =	simm.s32 $0x9;
	_ =	strace $0x80000048  }
0xb4: {  	_ =	swait.ge [sflag:s29], $0x1  }
0xb5: {  	[sflag:s29] =	ssyncadd.s32 $0xFFFFFFFF  }
0xb6: {  	_ =	strace $0x90000048  }
0xb7: {  	_ =	sfence  }
0xb8: {  	s30 =	sld [smem:$0x0];
	_ =	sdelay $0x2  }
0xb9: {  	s31 =	sshll.u32 s1, $0xD;
	s1 =	sshrl.u32 s1, $0x2  }
0xba: {  	s3 =	sand.u32 $0x4000, s31;
	s1 =	sadd.s32 s1, s30  }
0xbb: {  	s0 =	sor.u32 s3, s0;
	s1 =	sshll.u32 s1, $0x11  }
0xbc: {  	s0 =	sor.u32 s1, s0  }
0xbd: {  	s0 =	sadd.s32 $0x8F2B, s0  }
0xbe: {  	[sflag:s0] =	ssyncadd.remote.s32 $0x1  }
0xbf: {  	_ =	sfence.sel $0xFFFF  }
0xc0: {  	[dreg:$0x0] =	wrdreg $0xFFFFFFFF;
	(pc) =	sbr.abs _section_cstart, $3  }
0xc1: {  	[dreg:$0x1] =	wrdreg $0xFFFFFFFF  }
0xc2: {  	_ =	task.clear_ibuf [dreg:s7], $0x2FFFF;
	_ =	strace $0x9FFFFFFF  }
0xc3: {  	(tm) =	ssettm $0x7FFFFFFF  }
tec
execute0_lowered:
.L_overlay_start_1:
0x0: {  	(tag) =	ssettag $0x1  }
0x1: {  	s4 =	rddreg [dreg:$0x0]  }
0x2: {  	s7 =	rddreg [dreg:$0x1]  }
0x3: {  	s2 =	rddreg [dreg:$0x2]  }
0x4: {  	s0 =	rddreg [dreg:$0x3]  }
0x5: {  	s3 =	simm.s32 $0x0;
	s1 =	stileid.u32;
	s8 =	srdreg.scid  }
0x6: {  	s13 =	simm.s32 $0x64;
	s14 =	simm.s32 $0x0;
	s5 =	smul.u32 $0xA42, s1  }
0x7: {  	[smem:$0x7FF] =	sst s3;
	s6 =	smul.u32 $0x2800, s1;
	s8 =	sand.u32 $0x1, s8  }
0x8: {  	s11 =	smul.u32 $0x500, s1;
	s31 =	sshll.u32 s1, $0x6;
	_ =	strace $0x80000047  }
0x9: {  	s10 =	ssub.s32 $0x2, s8;
	s8 =	smul.u32 $0x5000, s8;
	s5 =	sadd.s32 s5, s4  }
0xa: {  	s9 =	sshrl.u32 s6, $0x3;
	s12 =	sshrl.u32 s10, $0x1;
	s30 =	sadd.s32 s6, s2  }
0xb: {  	s9 =	sadd.s32 s9, s4;
	s4 =	sadd.s32 $0xC200, s4;
	s10 =	ssub.s32 s10, s12  }
0xc: {  	s5 =	sadd.s32 $0x1C00, s5;
	s8 =	sadd.s32 s11, s8;
	s11 =	sor.u32 $0x1C01, s31  }
0xd: {  	s12 =	sshrl.u32 s30, $0x3;
	s6 =	sadd.s32 $0xC400, s9;
	s7 =	sadd.s32 s7, s8  }
0xe: {  	s8 =	smax.u32 s10, $0x1;
	s9 =	simm.s32 $0x1;
	s10 =	simm.s32 $0x5210  }
.LBB2_1:
0xf: {  	[tilespmem:s3], [sflag:$0x1] =	stream.linear.gather [hbm4b:s5+s3], $0x5210, $0x38;
	[tilespmem:$0x8050] =	vst v63  }
0x10: {  	_ =	swait.ge [sflag:s9], $0x5210  }
0x11: {  	[sflag:s9] =	ssyncset.done $0x0  }
0x12: {  	[sflag:s9] =	ssyncadd.s32 $0xFFFFADF0  }
0x13: {  	[tilespmem:s10], [sflag:$0x1] =	stream.linear.gather [hbm4b:s4+s3], $0x640, $0x38;
	[tilespmem:$0x8050] =	vst v63  }
0x14: {  	_ =	swait.ge [sflag:s9], $0x640  }
0x15: {  	[sflag:s9] =	ssyncset.done $0x0  }
0x16: {  	[sflag:s9] =	ssyncadd.s32 $0xFFFFF9C0  }
0x17: {  	[spmem:s12], [sflag:s11] =	dma.local [hbm:s6], $0x500  }
0x18: {  	_ =	swait.ge [sflag:s9], $0x500  }
0x19: {  	[sflag:s9] =	ssyncset.done $0x0  }
0x1a: {  	[sflag:s9] =	ssyncadd.s32 $0xFFFFFB00  }
0x1b: {  	s15 =	simm.s32 $0x0;
	[bflag:$0x0] =	sbarrier.arrive $0xFFFF  }
0x1c: {  	[spmem:s2] =	stream.indirect.scatter.add.f32 [tilespmem:s10], [sflag:$0x1], $0x10, s15, s13, $0xb8;
	[tilespmem:$0x8050] =	vst v63  }
0x1d: {  	_ =	swait.ge [sflag:s9], $0x640  }
0x1e: {  	s15 =	simm.s32 $0x1A0;
	[sflag:s9] =	ssyncset.done $0x0  }
.LBB2_2:
0x1f: {  	s16 =	sshra.s32 s15, $0x2;
	[sflag:s9] =	ssyncadd.s32 $0xFFFFF9C0;
	p0 =	sne.s32 s15, $0x14360  }
0x20: {  	[spmem:s2] =	stream.indirect.scatter.add.f32 [tilespmem:s10], [sflag:$0x1], $0x10, s16, s13, $0xb8;
	[tilespmem:$0x8050] =	vst v63  }
.Ltmp0:
0x21: {  	_ = 	snop;
	(pc) =	sbr.rel @p0 .LBB2_2-.Ltmp0, $4  }
0x22: {  	_ = 	snop  }
0x23: {  	s15 =	sadd.s32 $0x1A0, s15  }
0x24: {  	_ =	swait.ge [sflag:s9], $0x640  }
0x25: {  	[sflag:s9] =	ssyncset.done $0x0  }
0x26: {  	s14 =	sadd.s32 $0x1, s14  }
0x27: {  	[sflag:s9] =	ssyncadd.s32 $0xFFFFF9C0;
	p0 =	sne.s32 s14, s8  }
.Ltmp1:
0x28: {  	[bflag:$0x0] =	sbarrier.arrive $0xFFFF;
	(pc) =	sbr.rel @p0 .LBB2_1-.Ltmp1, $4  }
0x29: {  	[hbm:s7], [sflag:s11] =	dma.local [spmem:s12], $0x500  }
0x2a: {  	_ =	swait.ge [sflag:s9], $0x500  }
0x2b: {  	[sflag:s9] =	ssyncset.done $0x0  }
0x2c: {  	[sflag:s9] =	ssyncadd.s32 $0xFFFFFB00  }
0x2d: {  	_ =	sfence.sel $0x180000  }
0x2e: {  	[bflag:$0x0] =	sbarrier.arrive $0xFFFF  }
0x2f: {  	p0 =	sne.s32 s1, $0x0;
	_ =	strace $0x90000047  }
0x30: {  	s0 =	sadd.s32 @!p0 $0x100000, s0;
	[bflag:$0x2] =	sbarrier.arrive $0xFFFF  }
0x31: {  	[sflag:s0] =	ssyncadd.tile.s32 @!p0 $0x1;
	_ =	shalt  }
.Lfunc_end2:
_tile_overlayer_lowered:
.L_overlay_start_2:
0x32: {  	(tag) =	ssettag $0x2  }
0x33: {  	s0 =	rddreg [dreg:$0x0];
	s2 =	stileid.u32  }
0x34: {  	s1 =	rddreg [dreg:$0x1];
	p0 =	sne.s32 s2, $0x0  }
0x35: {  	s3 =	rddreg [dreg:$0x2];
	[bflag:$0x3] =	sbarrier.arrive $0xFFFF;
	s2 =	simm.s32 @!p0 $0x1C01  }
0x36: {  	[timem:s3], [sflag:s2] =	dma.local @!p0 [hbm:s0], s1  }
0x37: {  	s0 =	simm.s32 @!p0 $0x1  }
0x38: {  	_ =	swait.ge @!p0 [sflag:s0], s1  }
0x39: {  	s1 =	ssub.s32 @!p0 $0x0, s1;
	[sflag:s0] =	ssyncset.done @!p0 $0x0  }
0x3a: {  	[sflag:s0] =	ssyncadd.s32 @!p0 s1  }
0x3b: {  	[bflag:$0x3] =	sbarrier.arrive $0xFFFF  }
0x3c: {  	_ =	shalt  }

</sc_bundles>
